<compile_context>
chip_gen: v7x
topology: tpu7x:2x2x1
jax: 0.10.2.dev20260603
libtpu: 0.0.44.dev20260713+nightly
codegen_flags: <defaults>
</compile_context>

<pallas_src>
import functools

import jax
import jax.numpy as jnp
from jax import lax
from jax.experimental import pallas as pl
from jax.experimental.pallas import tpu as pltpu
from jax.experimental.pallas import tpu_sc as plsc

NT = 16
NJ = 2048
B = 16384
H = 64

_SC = plsc.get_sparse_core_info()
_NC = _SC.num_cores
_NS = _SC.num_subcores
_L = _SC.num_lanes
NW = _NC * _NS
B_PER_W = B // NW
CHUNK = 128
NCHUNK = B_PER_W // CHUNK


def _gather_body(flat_hbm, i0_hbm, i1_hbm, out_hbm, i0_v, i1_v, fidx_v, x_v, sem):
    wid = lax.axis_index("s") * _NC + lax.axis_index("c")
    base = wid * B_PER_W
    pltpu.sync_copy(i0_hbm.at[pl.ds(base, B_PER_W)], i0_v)
    pltpu.sync_copy(i1_hbm.at[pl.ds(base, B_PER_W)], i1_v)
    for j in range(NCHUNK):
        for k in range(CHUNK // _L):
            off = j * CHUNK + k * _L
            a = i0_v[pl.ds(off, _L)]
            b = i1_v[pl.ds(off, _L)]
            fidx_v[j, pl.ds(k * _L, _L)] = a * NJ + b
    copies = [
        pltpu.async_copy(flat_hbm.at[fidx_v.at[j]],
                         x_v.at[pl.ds(j * CHUNK, CHUNK)], sem)
        for j in range(NCHUNK)
    ]
    for c in copies:
        c.wait()
    pltpu.sync_copy(x_v, out_hbm.at[pl.ds(base, B_PER_W)])


_gather = functools.partial(
    pl.kernel,
    mesh=plsc.VectorSubcoreMesh(core_axis_name="c", subcore_axis_name="s"),
    out_type=jax.ShapeDtypeStruct((B,), jnp.float32),
    scratch_types=[
        pltpu.VMEM((B_PER_W,), jnp.int32),
        pltpu.VMEM((B_PER_W,), jnp.int32),
        pltpu.VMEM((NCHUNK, CHUNK), jnp.int32),
        pltpu.VMEM((B_PER_W,), jnp.float32),
        pltpu.SemaphoreType.DMA,
    ],
)(_gather_body)


def _loss_body(x_ref, w1_ref, b1_ref, w2t_ref, b2_ref, out_ref):
    w1aug = jnp.concatenate([w1_ref[...], b1_ref[...]], axis=1)
    w2t = w2t_ref[...]
    b2 = b2_ref[...]
    ones_row = jnp.ones((1, B), jnp.float32)
    dn = (((1,), (0,)), ((), ()))

    x = x_ref[...]
    accv = jnp.zeros((1, B), jnp.float32)
    for t in range(NT - 1):
        x = x + 0.01 * jnp.tanh(x)
        xaug = jnp.concatenate([x, ones_row], axis=0)
        h = jnp.tanh(lax.dot_general(w1aug, xaug, dn,
                                     preferred_element_type=jnp.float32))
        x2 = lax.dot_general(w2t, h, dn,
                             preferred_element_type=jnp.float32)
        d = x - x2 - b2
        accv = accv + d * d

    out_ref[...] = jnp.reshape(jnp.sum(accv), (1, 1)) / jnp.float32((NT - 1) * B)


_loss = pl.pallas_call(
    _loss_body,
    out_shape=jax.ShapeDtypeStruct((1, 1), jnp.float32),
)


def kernel(xi0, W1, b1, W2, b2, index):
    flat = xi0.reshape(-1)
    idx = index.astype(jnp.int32)
    x0 = _gather(flat, idx[:, 0], idx[:, 1])
    out = _loss(x0.reshape(1, B), W1.reshape(H, 1), b1.reshape(H, 1),
                W2.reshape(1, H), b2.reshape(1, 1))
    return out[0, 0]

# --- scband reference (transcript-rebuilt; emitter-appended) ---
"""Pipeline reference for scband-loss-function-50319836840232 (READ-ONLY COPY).

The authoritative reference and input builder live on the scoring server;
editing this copy changes nothing except your own understanding.
"""

import jax, jax.numpy as jnp
import numpy as np

NT = 16
NJ = 2048


def setup_inputs(seed: int = 0) -> dict:
    key = jax.random.key(seed)
    k1, k2, k3, k4 = jax.random.split(key, 4)
    xi0 = jax.random.normal(k1, (NJ, NJ), dtype=jnp.float32)
    W1 = jax.random.normal(k2, (1, 64), dtype=jnp.float32) * 0.1
    b1 = jnp.zeros((64,), dtype=jnp.float32)
    W2 = jax.random.normal(k3, (64, 1), dtype=jnp.float32) * 0.1
    b2 = jnp.zeros((1,), dtype=jnp.float32)
    index = jax.random.randint(k4, (16384, 2), 0, NJ, dtype=jnp.int64)
    return {"xi0": xi0, "W1": W1, "b1": b1, "W2": W2, "b2": b2, "index": index}


def _simulate_one_step(xi):
    # ws.simulate_one_step: explicit Euler step of a nonlinear drift
    return xi + 0.01 * jnp.tanh(xi)


def _xi_fun_with_grad(x_sel, W1, b1, W2, b2):
    # small MLP surrogate model evaluated at the selected state points
    h = jnp.tanh(x_sel[:, None] @ W1 + b1)
    return (h @ W2 + b2).squeeze(-1)


def reference(xi0, W1, b1, W2, b2, index):
    select = index[:, 0] + index[:, 1] * NJ
    xi = xi0
    total = jnp.float32(0.0)
    for ti in range(NT - 1):
        xi = _simulate_one_step(xi)
        flat = xi.T.reshape(-1)
        x1 = jnp.take(flat, select, axis=0)
        x2 = _xi_fun_with_grad(x1, W1, b1, W2, b2)
        total = total + jnp.mean((x1 - x2) ** 2)  # criterion = MSE
    return total / (NT - 1)

if __name__ == "__main__":
    import jax
    _d = setup_inputs()
    print(jax.jit(kernel)(*tuple(_d.values())))

</pallas_src>

<mosaic_0001>
#map = affine_map<(d0, d1) -> (0)>
module attributes {stable_mosaic.version = 14 : i64} {
  func.func @_gather_body(%arg0: i32, %arg1: i32, %arg2: memref<4194304xf32, #tpu.memory_space<hbm>>, %arg3: memref<16384xi32, #tpu.memory_space<hbm>>, %arg4: memref<16384xi32, #tpu.memory_space<hbm>>, %arg5: memref<16384xf32, #tpu.memory_space<hbm>>, %arg6: memref<512xi32, #tpu.memory_space<vmem>>, %arg7: memref<512xi32, #tpu.memory_space<vmem>>, %arg8: memref<4x128xi32, #tpu.memory_space<vmem>>, %arg9: memref<512xf32, #tpu.memory_space<vmem>>, %arg10: memref<!tpu.dma_semaphore, #tpu.memory_space<semaphore_mem>>) attributes {dimension_semantics = [#tpu.dimension_semantics<core_parallel>, #tpu.dimension_semantics<subcore_parallel>], iteration_bounds = array<i64: 2, 16>, scalar_prefetch = 0 : i64, scratch_operands = 5 : i64, tpu.core_type = #tpu.core_type<sc_vector_subcore>, window_params = [{transform_indices = #map}, {transform_indices = #map}, {transform_indices = #map}, {transform_indices = #map}]} {
    %mul3A = arith.constant 2 : i32
    %mul3A_0 = arith.muli %arg1, %mul3A : i32
    %add3A = arith.addi %mul3A_0, %arg0 : i32
    %mul3A_1 = arith.constant 512 : i32
    %mul3A_2 = arith.muli %add3A, %mul3A_1 : i32
    "tpu.region"() ({
      %run_scoped3A = tpu.sem_alloc : memref<!tpu.dma_semaphore, #tpu.memory_space<semaphore_mem>>
      %dma_start3A_575 = tpu.memref_slice %arg3[%mul3A_2] : memref<16384xi32, #tpu.memory_space<hbm>> -> memref<512xi32, #tpu.memory_space<hbm>>
      %dma_start3A_576 = tpu.memref_slice %arg3[%mul3A_2] : memref<16384xi32, #tpu.memory_space<hbm>> -> memref<512xi32, #tpu.memory_space<hbm>>
      tpu.enqueue_dma source(%dma_start3A_576 : memref<512xi32, #tpu.memory_space<hbm>>) target(%arg6 : memref<512xi32, #tpu.memory_space<vmem>>) target_semaphore(%run_scoped3A : memref<!tpu.dma_semaphore, #tpu.memory_space<semaphore_mem>>)
      %dma_wait3A_577 = tpu.memref_slice %arg3[%mul3A_2] : memref<16384xi32, #tpu.memory_space<hbm>> -> memref<512xi32, #tpu.memory_space<hbm>>
      %dma_wait3A_578 = tpu.memref_slice %arg3[%mul3A_2] : memref<16384xi32, #tpu.memory_space<hbm>> -> memref<512xi32, #tpu.memory_space<hbm>>
      tpu.wait_dma2 semaphore(%run_scoped3A : memref<!tpu.dma_semaphore, #tpu.memory_space<semaphore_mem>>) src(%dma_wait3A_578 : memref<512xi32, #tpu.memory_space<hbm>>) dst(%arg6 : memref<512xi32, #tpu.memory_space<vmem>>)
      tpu.yield
    }) : () -> ()
    "tpu.region"() ({
      %run_scoped3A = tpu.sem_alloc : memref<!tpu.dma_semaphore, #tpu.memory_space<semaphore_mem>>
      %dma_start3A_575 = tpu.memref_slice %arg4[%mul3A_2] : memref<16384xi32, #tpu.memory_space<hbm>> -> memref<512xi32, #tpu.memory_space<hbm>>
      %dma_start3A_576 = tpu.memref_slice %arg4[%mul3A_2] : memref<16384xi32, #tpu.memory_space<hbm>> -> memref<512xi32, #tpu.memory_space<hbm>>
      tpu.enqueue_dma source(%dma_start3A_576 : memref<512xi32, #tpu.memory_space<hbm>>) target(%arg7 : memref<512xi32, #tpu.memory_space<vmem>>) target_semaphore(%run_scoped3A : memref<!tpu.dma_semaphore, #tpu.memory_space<semaphore_mem>>)
      %dma_wait3A_577 = tpu.memref_slice %arg4[%mul3A_2] : memref<16384xi32, #tpu.memory_space<hbm>> -> memref<512xi32, #tpu.memory_space<hbm>>
      %dma_wait3A_578 = tpu.memref_slice %arg4[%mul3A_2] : memref<16384xi32, #tpu.memory_space<hbm>> -> memref<512xi32, #tpu.memory_space<hbm>>
      tpu.wait_dma2 semaphore(%run_scoped3A : memref<!tpu.dma_semaphore, #tpu.memory_space<semaphore_mem>>) src(%dma_wait3A_578 : memref<512xi32, #tpu.memory_space<hbm>>) dst(%arg7 : memref<512xi32, #tpu.memory_space<vmem>>)
      tpu.yield
    }) : () -> ()
    %get3A = arith.constant 0 : index
    %get3A_3 = tpu.vector_load %arg6[%get3A] {strides = array<i32>} : memref<512xi32, #tpu.memory_space<vmem>>, vector<16xi32>,
    %get3A_4 = vector.shape_cast %get3A_3 : vector<16xi32> to vector<16xi32>
    %get3A_5 = arith.constant 0 : index
    %get3A_6 = tpu.vector_load %arg7[%get3A_5] {strides = array<i32>} : memref<512xi32, #tpu.memory_space<vmem>>, vector<16xi32>,
    %get3A_7 = vector.shape_cast %get3A_6 : vector<16xi32> to vector<16xi32>
    %mul3A_8 = arith.constant 2048 : i32
    %mul3A_9 = vector.broadcast %mul3A_8 : i32 to vector<16xi32>
    %mul3A_10 = arith.muli %get3A_4, %mul3A_9 : vector<16xi32>
    %add3A_11 = arith.addi %mul3A_10, %get3A_7 : vector<16xi32>
    %swap3A = arith.constant 0 : i32
    %swap3A_12 = arith.index_cast %swap3A : i32 to index
    %swap3A_13 = arith.constant 0 : index
    %swap3A_14 = tpu.vector_load %arg8[%swap3A_12, %swap3A_13] {strides = array<i32>} : memref<4x128xi32, #tpu.memory_space<vmem>>, vector<1x16xi32>,
    %swap3A_15 = vector.shape_cast %swap3A_14 : vector<1x16xi32> to vector<16xi32>
    %swap3A_16 = vector.shape_cast %add3A_11 : vector<16xi32> to vector<1x16xi32>
    tpu.vector_store %arg8[%swap3A_12, %swap3A_13], %swap3A_16 {strides = array<i32>} : memref<4x128xi32, #tpu.memory_space<vmem>>, vector<1x16xi32>,
    %get3A_17 = arith.constant 16 : index
    %get3A_18 = tpu.vector_load %arg6[%get3A_17] {strides = array<i32>} : memref<512xi32, #tpu.memory_space<vmem>>, vector<16xi32>,
    %get3A_19 = vector.shape_cast %get3A_18 : vector<16xi32> to vector<16xi32>
    %get3A_20 = arith.constant 16 : index
    %get3A_21 = tpu.vector_load %arg7[%get3A_20] {strides = array<i32>} : memref<512xi32, #tpu.memory_space<vmem>>, vector<16xi32>,
    %get3A_22 = vector.shape_cast %get3A_21 : vector<16xi32> to vector<16xi32>
    %mul3A_23 = arith.constant 2048 : i32
    %mul3A_24 = vector.broadcast %mul3A_23 : i32 to vector<16xi32>
    %mul3A_25 = arith.muli %get3A_19, %mul3A_24 : vector<16xi32>
    %add3A_26 = arith.addi %mul3A_25, %get3A_22 : vector<16xi32>
    %swap3A_27 = arith.constant 0 : i32
    %swap3A_28 = arith.index_cast %swap3A_27 : i32 to index
    %swap3A_29 = arith.constant 16 : index
    %swap3A_30 = tpu.vector_load %arg8[%swap3A_28, %swap3A_29] {strides = array<i32>} : memref<4x128xi32, #tpu.memory_space<vmem>>, vector<1x16xi32>,
    %swap3A_31 = vector.shape_cast %swap3A_30 : vector<1x16xi32> to vector<16xi32>
    %swap3A_32 = vector.shape_cast %add3A_26 : vector<16xi32> to vector<1x16xi32>
    tpu.vector_store %arg8[%swap3A_28, %swap3A_29], %swap3A_32 {strides = array<i32>} : memref<4x128xi32, #tpu.memory_space<vmem>>, vector<1x16xi32>,
    %get3A_33 = arith.constant 32 : index
    %get3A_34 = tpu.vector_load %arg6[%get3A_33] {strides = array<i32>} : memref<512xi32, #tpu.memory_space<vmem>>, vector<16xi32>,
    %get3A_35 = vector.shape_cast %get3A_34 : vector<16xi32> to vector<16xi32>
    %get3A_36 = arith.constant 32 : index
    %get3A_37 = tpu.vector_load %arg7[%get3A_36] {strides = array<i32>} : memref<512xi32, #tpu.memory_space<vmem>>, vector<16xi32>,
    %get3A_38 = vector.shape_cast %get3A_37 : vector<16xi32> to vector<16xi32>
    %mul3A_39 = arith.constant 2048 : i32
    %mul3A_40 = vector.broadcast %mul3A_39 : i32 to vector<16xi32>
    %mul3A_41 = arith.muli %get3A_35, %mul3A_40 : vector<16xi32>
    %add3A_42 = arith.addi %mul3A_41, %get3A_38 : vector<16xi32>
    %swap3A_43 = arith.constant 0 : i32
    %swap3A_44 = arith.index_cast %swap3A_43 : i32 to index
    %swap3A_45 = arith.constant 32 : index
    %swap3A_46 = tpu.vector_load %arg8[%swap3A_44, %swap3A_45] {strides = array<i32>} : memref<4x128xi32, #tpu.memory_space<vmem>>, vector<1x16xi32>,
    %swap3A_47 = vector.shape_cast %swap3A_46 : vector<1x16xi32> to vector<16xi32>
    %swap3A_48 = vector.shape_cast %add3A_42 : vector<16xi32> to vector<1x16xi32>
    tpu.vector_store %arg8[%swap3A_44, %swap3A_45], %swap3A_48 {strides = array<i32>} : memref<4x128xi32, #tpu.memory_space<vmem>>, vector<1x16xi32>,
    %get3A_49 = arith.constant 48 : index
    %get3A_50 = tpu.vector_load %arg6[%get3A_49] {strides = array<i32>} : memref<512xi32, #tpu.memory_space<vmem>>, vector<16xi32>,
    %get3A_51 = vector.shape_cast %get3A_50 : vector<16xi32> to vector<16xi32>
    %get3A_52 = arith.constant 48 : index
    %get3A_53 = tpu.vector_load %arg7[%get3A_52] {strides = array<i32>} : memref<512xi32, #tpu.memory_space<vmem>>, vector<16xi32>,
    %get3A_54 = vector.shape_cast %get3A_53 : vector<16xi32> to vector<16xi32>
    %mul3A_55 = arith.constant 2048 : i32
    %mul3A_56 = vector.broadcast %mul3A_55 : i32 to vector<16xi32>
    %mul3A_57 = arith.muli %get3A_51, %mul3A_56 : vector<16xi32>
    %add3A_58 = arith.addi %mul3A_57, %get3A_54 : vector<16xi32>
    %swap3A_59 = arith.constant 0 : i32
    %swap3A_60 = arith.index_cast %swap3A_59 : i32 to index
    %swap3A_61 = arith.constant 48 : index
    %swap3A_62 = tpu.vector_load %arg8[%swap3A_60, %swap3A_61] {strides = array<i32>} : memref<4x128xi32, #tpu.memory_space<vmem>>, vector<1x16xi32>,
    %swap3A_63 = vector.shape_cast %swap3A_62 : vector<1x16xi32> to vector<16xi32>
    %swap3A_64 = vector.shape_cast %add3A_58 : vector<16xi32> to vector<1x16xi32>
    tpu.vector_store %arg8[%swap3A_60, %swap3A_61], %swap3A_64 {strides = array<i32>} : memref<4x128xi32, #tpu.memory_space<vmem>>, vector<1x16xi32>,
    %get3A_65 = arith.constant 64 : index
    %get3A_66 = tpu.vector_load %arg6[%get3A_65] {strides = array<i32>} : memref<512xi32, #tpu.memory_space<vmem>>, vector<16xi32>,
    %get3A_67 = vector.shape_cast %get3A_66 : vector<16xi32> to vector<16xi32>
    %get3A_68 = arith.constant 64 : index
    %get3A_69 = tpu.vector_load %arg7[%get3A_68] {strides = array<i32>} : memref<512xi32, #tpu.memory_space<vmem>>, vector<16xi32>,
    %get3A_70 = vector.shape_cast %get3A_69 : vector<16xi32> to vector<16xi32>
    %mul3A_71 = arith.constant 2048 : i32
    %mul3A_72 = vector.broadcast %mul3A_71 : i32 to vector<16xi32>
    %mul3A_73 = arith.muli %get3A_67, %mul3A_72 : vector<16xi32>
    %add3A_74 = arith.addi %mul3A_73, %get3A_70 : vector<16xi32>
    %swap3A_75 = arith.constant 0 : i32
    %swap3A_76 = arith.index_cast %swap3A_75 : i32 to index
    %swap3A_77 = arith.constant 64 : index
    %swap3A_78 = tpu.vector_load %arg8[%swap3A_76, %swap3A_77] {strides = array<i32>} : memref<4x128xi32, #tpu.memory_space<vmem>>, vector<1x16xi32>,
    %swap3A_79 = vector.shape_cast %swap3A_78 : vector<1x16xi32> to vector<16xi32>
    %swap3A_80 = vector.shape_cast %add3A_74 : vector<16xi32> to vector<1x16xi32>
    tpu.vector_store %arg8[%swap3A_76, %swap3A_77], %swap3A_80 {strides = array<i32>} : memref<4x128xi32, #tpu.memory_space<vmem>>, vector<1x16xi32>,
    %get3A_81 = arith.constant 80 : index
    %get3A_82 = tpu.vector_load %arg6[%get3A_81] {strides = array<i32>} : memref<512xi32, #tpu.memory_space<vmem>>, vector<16xi32>,
    %get3A_83 = vector.shape_cast %get3A_82 : vector<16xi32> to vector<16xi32>
    %get3A_84 = arith.constant 80 : index
    %get3A_85 = tpu.vector_load %arg7[%get3A_84] {strides = array<i32>} : memref<512xi32, #tpu.memory_space<vmem>>, vector<16xi32>,
    %get3A_86 = vector.shape_cast %get3A_85 : vector<16xi32> to vector<16xi32>
    %mul3A_87 = arith.constant 2048 : i32
    %mul3A_88 = vector.broadcast %mul3A_87 : i32 to vector<16xi32>
    %mul3A_89 = arith.muli %get3A_83, %mul3A_88 : vector<16xi32>
    %add3A_90 = arith.addi %mul3A_89, %get3A_86 : vector<16xi32>
    %swap3A_91 = arith.constant 0 : i32
    %swap3A_92 = arith.index_cast %swap3A_91 : i32 to index
    %swap3A_93 = arith.constant 80 : index
    %swap3A_94 = tpu.vector_load %arg8[%swap3A_92, %swap3A_93] {strides = array<i32>} : memref<4x128xi32, #tpu.memory_space<vmem>>, vector<1x16xi32>,
    %swap3A_95 = vector.shape_cast %swap3A_94 : vector<1x16xi32> to vector<16xi32>
    %swap3A_96 = vector.shape_cast %add3A_90 : vector<16xi32> to vector<1x16xi32>
    tpu.vector_store %arg8[%swap3A_92, %swap3A_93], %swap3A_96 {strides = array<i32>} : memref<4x128xi32, #tpu.memory_space<vmem>>, vector<1x16xi32>,
    %get3A_97 = arith.constant 96 : index
    %get3A_98 = tpu.vector_load %arg6[%get3A_97] {strides = array<i32>} : memref<512xi32, #tpu.memory_space<vmem>>, vector<16xi32>,
    %get3A_99 = vector.shape_cast %get3A_98 : vector<16xi32> to vector<16xi32>
    %get3A_100 = arith.constant 96 : index
    %get3A_101 = tpu.vector_load %arg7[%get3A_100] {strides = array<i32>} : memref<512xi32, #tpu.memory_space<vmem>>, vector<16xi32>,
    %get3A_102 = vector.shape_cast %get3A_101 : vector<16xi32> to vector<16xi32>
    %mul3A_103 = arith.constant 2048 : i32
    %mul3A_104 = vector.broadcast %mul3A_103 : i32 to vector<16xi32>
    %mul3A_105 = arith.muli %get3A_99, %mul3A_104 : vector<16xi32>
    %add3A_106 = arith.addi %mul3A_105, %get3A_102 : vector<16xi32>
    %swap3A_107 = arith.constant 0 : i32
    %swap3A_108 = arith.index_cast %swap3A_107 : i32 to index
    %swap3A_109 = arith.constant 96 : index
    %swap3A_110 = tpu.vector_load %arg8[%swap3A_108, %swap3A_109] {strides = array<i32>} : memref<4x128xi32, #tpu.memory_space<vmem>>, vector<1x16xi32>,
    %swap3A_111 = vector.shape_cast %swap3A_110 : vector<1x16xi32> to vector<16xi32>
    %swap3A_112 = vector.shape_cast %add3A_106 : vector<16xi32> to vector<1x16xi32>
    tpu.vector_store %arg8[%swap3A_108, %swap3A_109], %swap3A_112 {strides = array<i32>} : memref<4x128xi32, #tpu.memory_space<vmem>>, vector<1x16xi32>,
    %get3A_113 = arith.constant 112 : index
    %get3A_114 = tpu.vector_load %arg6[%get3A_113] {strides = array<i32>} : memref<512xi32, #tpu.memory_space<vmem>>, vector<16xi32>,
    %get3A_115 = vector.shape_cast %get3A_114 : vector<16xi32> to vector<16xi32>
    %get3A_116 = arith.constant 112 : index
    %get3A_117 = tpu.vector_load %arg7[%get3A_116] {strides = array<i32>} : memref<512xi32, #tpu.memory_space<vmem>>, vector<16xi32>,
    %get3A_118 = vector.shape_cast %get3A_117 : vector<16xi32> to vector<16xi32>
    %mul3A_119 = arith.constant 2048 : i32
    %mul3A_120 = vector.broadcast %mul3A_119 : i32 to vector<16xi32>
    %mul3A_121 = arith.muli %get3A_115, %mul3A_120 : vector<16xi32>
    %add3A_122 = arith.addi %mul3A_121, %get3A_118 : vector<16xi32>
    %swap3A_123 = arith.constant 0 : i32
    %swap3A_124 = arith.index_cast %swap3A_123 : i32 to index
    %swap3A_125 = arith.constant 112 : index
    %swap3A_126 = tpu.vector_load %arg8[%swap3A_124, %swap3A_125] {strides = array<i32>} : memref<4x128xi32, #tpu.memory_space<vmem>>, vector<1x16xi32>,
    %swap3A_127 = vector.shape_cast %swap3A_126 : vector<1x16xi32> to vector<16xi32>
    %swap3A_128 = vector.shape_cast %add3A_122 : vector<16xi32> to vector<1x16xi32>
    tpu.vector_store %arg8[%swap3A_124, %swap3A_125], %swap3A_128 {strides = array<i32>} : memref<4x128xi32, #tpu.memory_space<vmem>>, vector<1x16xi32>,
    %get3A_129 = arith.constant 128 : index
    %get3A_130 = tpu.vector_load %arg6[%get3A_129] {strides = array<i32>} : memref<512xi32, #tpu.memory_space<vmem>>, vector<16xi32>,
    %get3A_131 = vector.shape_cast %get3A_130 : vector<16xi32> to vector<16xi32>
    %get3A_132 = arith.constant 128 : index
    %get3A_133 = tpu.vector_load %arg7[%get3A_132] {strides = array<i32>} : memref<512xi32, #tpu.memory_space<vmem>>, vector<16xi32>,
    %get3A_134 = vector.shape_cast %get3A_133 : vector<16xi32> to vector<16xi32>
    %mul3A_135 = arith.constant 2048 : i32
    %mul3A_136 = vector.broadcast %mul3A_135 : i32 to vector<16xi32>
    %mul3A_137 = arith.muli %get3A_131, %mul3A_136 : vector<16xi32>
    %add3A_138 = arith.addi %mul3A_137, %get3A_134 : vector<16xi32>
    %swap3A_139 = arith.constant 1 : i32
    %swap3A_140 = arith.index_cast %swap3A_139 : i32 to index
    %swap3A_141 = arith.constant 0 : index
    %swap3A_142 = tpu.vector_load %arg8[%swap3A_140, %swap3A_141] {strides = array<i32>} : memref<4x128xi32, #tpu.memory_space<vmem>>, vector<1x16xi32>,
    %swap3A_143 = vector.shape_cast %swap3A_142 : vector<1x16xi32> to vector<16xi32>
    %swap3A_144 = vector.shape_cast %add3A_138 : vector<16xi32> to vector<1x16xi32>
    tpu.vector_store %arg8[%swap3A_140, %swap3A_141], %swap3A_144 {strides = array<i32>} : memref<4x128xi32, #tpu.memory_space<vmem>>, vector<1x16xi32>,
    %get3A_145 = arith.constant 144 : index
    %get3A_146 = tpu.vector_load %arg6[%get3A_145] {strides = array<i32>} : memref<512xi32, #tpu.memory_space<vmem>>, vector<16xi32>,
    %get3A_147 = vector.shape_cast %get3A_146 : vector<16xi32> to vector<16xi32>
    %get3A_148 = arith.constant 144 : index
    %get3A_149 = tpu.vector_load %arg7[%get3A_148] {strides = array<i32>} : memref<512xi32, #tpu.memory_space<vmem>>, vector<16xi32>,
    %get3A_150 = vector.shape_cast %get3A_149 : vector<16xi32> to vector<16xi32>
    %mul3A_151 = arith.constant 2048 : i32
    %mul3A_152 = vector.broadcast %mul3A_151 : i32 to vector<16xi32>
    %mul3A_153 = arith.muli %get3A_147, %mul3A_152 : vector<16xi32>
    %add3A_154 = arith.addi %mul3A_153, %get3A_150 : vector<16xi32>
    %swap3A_155 = arith.constant 1 : i32
    %swap3A_156 = arith.index_cast %swap3A_155 : i32 to index
    %swap3A_157 = arith.constant 16 : index
    %swap3A_158 = tpu.vector_load %arg8[%swap3A_156, %swap3A_157] {strides = array<i32>} : memref<4x128xi32, #tpu.memory_space<vmem>>, vector<1x16xi32>,
    %swap3A_159 = vector.shape_cast %swap3A_158 : vector<1x16xi32> to vector<16xi32>
    %swap3A_160 = vector.shape_cast %add3A_154 : vector<16xi32> to vector<1x16xi32>
    tpu.vector_store %arg8[%swap3A_156, %swap3A_157], %swap3A_160 {strides = array<i32>} : memref<4x128xi32, #tpu.memory_space<vmem>>, vector<1x16xi32>,
    %get3A_161 = arith.constant 160 : index
    %get3A_162 = tpu.vector_load %arg6[%get3A_161] {strides = array<i32>} : memref<512xi32, #tpu.memory_space<vmem>>, vector<16xi32>,
    %get3A_163 = vector.shape_cast %get3A_162 : vector<16xi32> to vector<16xi32>
    %get3A_164 = arith.constant 160 : index
    %get3A_165 = tpu.vector_load %arg7[%get3A_164] {strides = array<i32>} : memref<512xi32, #tpu.memory_space<vmem>>, vector<16xi32>,
    %get3A_166 = vector.shape_cast %get3A_165 : vector<16xi32> to vector<16xi32>
    %mul3A_167 = arith.constant 2048 : i32
    %mul3A_168 = vector.broadcast %mul3A_167 : i32 to vector<16xi32>
    %mul3A_169 = arith.muli %get3A_163, %mul3A_168 : vector<16xi32>
    %add3A_170 = arith.addi %mul3A_169, %get3A_166 : vector<16xi32>
    %swap3A_171 = arith.constant 1 : i32
    %swap3A_172 = arith.index_cast %swap3A_171 : i32 to index
    %swap3A_173 = arith.constant 32 : index
    %swap3A_174 = tpu.vector_load %arg8[%swap3A_172, %swap3A_173] {strides = array<i32>} : memref<4x128xi32, #tpu.memory_space<vmem>>, vector<1x16xi32>,
    %swap3A_175 = vector.shape_cast %swap3A_174 : vector<1x16xi32> to vector<16xi32>
    %swap3A_176 = vector.shape_cast %add3A_170 : vector<16xi32> to vector<1x16xi32>
    tpu.vector_store %arg8[%swap3A_172, %swap3A_173], %swap3A_176 {strides = array<i32>} : memref<4x128xi32, #tpu.memory_space<vmem>>, vector<1x16xi32>,
    %get3A_177 = arith.constant 176 : index
    %get3A_178 = tpu.vector_load %arg6[%get3A_177] {strides = array<i32>} : memref<512xi32, #tpu.memory_space<vmem>>, vector<16xi32>,
    %get3A_179 = vector.shape_cast %get3A_178 : vector<16xi32> to vector<16xi32>
    %get3A_180 = arith.constant 176 : index
    %get3A_181 = tpu.vector_load %arg7[%get3A_180] {strides = array<i32>} : memref<512xi32, #tpu.memory_space<vmem>>, vector<16xi32>,
    %get3A_182 = vector.shape_cast %get3A_181 : vector<16xi32> to vector<16xi32>
    %mul3A_183 = arith.constant 2048 : i32
    %mul3A_184 = vector.broadcast %mul3A_183 : i32 to vector<16xi32>
    %mul3A_185 = arith.muli %get3A_179, %mul3A_184 : vector<16xi32>
    %add3A_186 = arith.addi %mul3A_185, %get3A_182 : vector<16xi32>
    %swap3A_187 = arith.constant 1 : i32
    %swap3A_188 = arith.index_cast %swap3A_187 : i32 to index
    %swap3A_189 = arith.constant 48 : index
    %swap3A_190 = tpu.vector_load %arg8[%swap3A_188, %swap3A_189] {strides = array<i32>} : memref<4x128xi32, #tpu.memory_space<vmem>>, vector<1x16xi32>,
    %swap3A_191 = vector.shape_cast %swap3A_190 : vector<1x16xi32> to vector<16xi32>
    %swap3A_192 = vector.shape_cast %add3A_186 : vector<16xi32> to vector<1x16xi32>
    tpu.vector_store %arg8[%swap3A_188, %swap3A_189], %swap3A_192 {strides = array<i32>} : memref<4x128xi32, #tpu.memory_space<vmem>>, vector<1x16xi32>,
    %get3A_193 = arith.constant 192 : index
    %get3A_194 = tpu.vector_load %arg6[%get3A_193] {strides = array<i32>} : memref<512xi32, #tpu.memory_space<vmem>>, vector<16xi32>,
    %get3A_195 = vector.shape_cast %get3A_194 : vector<16xi32> to vector<16xi32>
    %get3A_196 = arith.constant 192 : index
    %get3A_197 = tpu.vector_load %arg7[%get3A_196] {strides = array<i32>} : memref<512xi32, #tpu.memory_space<vmem>>, vector<16xi32>,
    %get3A_198 = vector.shape_cast %get3A_197 : vector<16xi32> to vector<16xi32>
    %mul3A_199 = arith.constant 2048 : i32
    %mul3A_200 = vector.broadcast %mul3A_199 : i32 to vector<16xi32>
    %mul3A_201 = arith.muli %get3A_195, %mul3A_200 : vector<16xi32>
    %add3A_202 = arith.addi %mul3A_201, %get3A_198 : vector<16xi32>
    %swap3A_203 = arith.constant 1 : i32
    %swap3A_204 = arith.index_cast %swap3A_203 : i32 to index
    %swap3A_205 = arith.constant 64 : index
    %swap3A_206 = tpu.vector_load %arg8[%swap3A_204, %swap3A_205] {strides = array<i32>} : memref<4x128xi32, #tpu.memory_space<vmem>>, vector<1x16xi32>,
    %swap3A_207 = vector.shape_cast %swap3A_206 : vector<1x16xi32> to vector<16xi32>
    %swap3A_208 = vector.shape_cast %add3A_202 : vector<16xi32> to vector<1x16xi32>
    tpu.vector_store %arg8[%swap3A_204, %swap3A_205], %swap3A_208 {strides = array<i32>} : memref<4x128xi32, #tpu.memory_space<vmem>>, vector<1x16xi32>,
    %get3A_209 = arith.constant 208 : index
    %get3A_210 = tpu.vector_load %arg6[%get3A_209] {strides = array<i32>} : memref<512xi32, #tpu.memory_space<vmem>>, vector<16xi32>,
    %get3A_211 = vector.shape_cast %get3A_210 : vector<16xi32> to vector<16xi32>
    %get3A_212 = arith.constant 208 : index
    %get3A_213 = tpu.vector_load %arg7[%get3A_212] {strides = array<i32>} : memref<512xi32, #tpu.memory_space<vmem>>, vector<16xi32>,
    %get3A_214 = vector.shape_cast %get3A_213 : vector<16xi32> to vector<16xi32>
    %mul3A_215 = arith.constant 2048 : i32
    %mul3A_216 = vector.broadcast %mul3A_215 : i32 to vector<16xi32>
    %mul3A_217 = arith.muli %get3A_211, %mul3A_216 : vector<16xi32>
    %add3A_218 = arith.addi %mul3A_217, %get3A_214 : vector<16xi32>
    %swap3A_219 = arith.constant 1 : i32
    %swap3A_220 = arith.index_cast %swap3A_219 : i32 to index
    %swap3A_221 = arith.constant 80 : index
    %swap3A_222 = tpu.vector_load %arg8[%swap3A_220, %swap3A_221] {strides = array<i32>} : memref<4x128xi32, #tpu.memory_space<vmem>>, vector<1x16xi32>,
    %swap3A_223 = vector.shape_cast %swap3A_222 : vector<1x16xi32> to vector<16xi32>
    %swap3A_224 = vector.shape_cast %add3A_218 : vector<16xi32> to vector<1x16xi32>
    tpu.vector_store %arg8[%swap3A_220, %swap3A_221], %swap3A_224 {strides = array<i32>} : memref<4x128xi32, #tpu.memory_space<vmem>>, vector<1x16xi32>,
    %get3A_225 = arith.constant 224 : index
    %get3A_226 = tpu.vector_load %arg6[%get3A_225] {strides = array<i32>} : memref<512xi32, #tpu.memory_space<vmem>>, vector<16xi32>,
    %get3A_227 = vector.shape_cast %get3A_226 : vector<16xi32> to vector<16xi32>
    %get3A_228 = arith.constant 224 : index
    %get3A_229 = tpu.vector_load %arg7[%get3A_228] {strides = array<i32>} : memref<512xi32, #tpu.memory_space<vmem>>, vector<16xi32>,
    %get3A_230 = vector.shape_cast %get3A_229 : vector<16xi32> to vector<16xi32>
    %mul3A_231 = arith.constant 2048 : i32
    %mul3A_232 = vector.broadcast %mul3A_231 : i32 to vector<16xi32>
    %mul3A_233 = arith.muli %get3A_227, %mul3A_232 : vector<16xi32>
    %add3A_234 = arith.addi %mul3A_233, %get3A_230 : vector<16xi32>
    %swap3A_235 = arith.constant 1 : i32
    %swap3A_236 = arith.index_cast %swap3A_235 : i32 to index
    %swap3A_237 = arith.constant 96 : index
    %swap3A_238 = tpu.vector_load %arg8[%swap3A_236, %swap3A_237] {strides = array<i32>} : memref<4x128xi32, #tpu.memory_space<vmem>>, vector<1x16xi32>,
    %swap3A_239 = vector.shape_cast %swap3A_238 : vector<1x16xi32> to vector<16xi32>
    %swap3A_240 = vector.shape_cast %add3A_234 : vector<16xi32> to vector<1x16xi32>
    tpu.vector_store %arg8[%swap3A_236, %swap3A_237], %swap3A_240 {strides = array<i32>} : memref<4x128xi32, #tpu.memory_space<vmem>>, vector<1x16xi32>,
    %get3A_241 = arith.constant 240 : index
    %get3A_242 = tpu.vector_load %arg6[%get3A_241] {strides = array<i32>} : memref<512xi32, #tpu.memory_space<vmem>>, vector<16xi32>,
    %get3A_243 = vector.shape_cast %get3A_242 : vector<16xi32> to vector<16xi32>
    %get3A_244 = arith.constant 240 : index
    %get3A_245 = tpu.vector_load %arg7[%get3A_244] {strides = array<i32>} : memref<512xi32, #tpu.memory_space<vmem>>, vector<16xi32>,
    %get3A_246 = vector.shape_cast %get3A_245 : vector<16xi32> to vector<16xi32>
    %mul3A_247 = arith.constant 2048 : i32
    %mul3A_248 = vector.broadcast %mul3A_247 : i32 to vector<16xi32>
    %mul3A_249 = arith.muli %get3A_243, %mul3A_248 : vector<16xi32>
    %add3A_250 = arith.addi %mul3A_249, %get3A_246 : vector<16xi32>
    %swap3A_251 = arith.constant 1 : i32
    %swap3A_252 = arith.index_cast %swap3A_251 : i32 to index
    %swap3A_253 = arith.constant 112 : index
    %swap3A_254 = tpu.vector_load %arg8[%swap3A_252, %swap3A_253] {strides = array<i32>} : memref<4x128xi32, #tpu.memory_space<vmem>>, vector<1x16xi32>,
    %swap3A_255 = vector.shape_cast %swap3A_254 : vector<1x16xi32> to vector<16xi32>
    %swap3A_256 = vector.shape_cast %add3A_250 : vector<16xi32> to vector<1x16xi32>
    tpu.vector_store %arg8[%swap3A_252, %swap3A_253], %swap3A_256 {strides = array<i32>} : memref<4x128xi32, #tpu.memory_space<vmem>>, vector<1x16xi32>,
    %get3A_257 = arith.constant 256 : index
    %get3A_258 = tpu.vector_load %arg6[%get3A_257] {strides = array<i32>} : memref<512xi32, #tpu.memory_space<vmem>>, vector<16xi32>,
    %get3A_259 = vector.shape_cast %get3A_258 : vector<16xi32> to vector<16xi32>
    %get3A_260 = arith.constant 256 : index
    %get3A_261 = tpu.vector_load %arg7[%get3A_260] {strides = array<i32>} : memref<512xi32, #tpu.memory_space<vmem>>, vector<16xi32>,
    %get3A_262 = vector.shape_cast %get3A_261 : vector<16xi32> to vector<16xi32>
    %mul3A_263 = arith.constant 2048 : i32
    %mul3A_264 = vector.broadcast %mul3A_263 : i32 to vector<16xi32>
    %mul3A_265 = arith.muli %get3A_259, %mul3A_264 : vector<16xi32>
    %add3A_266 = arith.addi %mul3A_265, %get3A_262 : vector<16xi32>
    %swap3A_267 = arith.constant 2 : i32
    %swap3A_268 = arith.index_cast %swap3A_267 : i32 to index
    %swap3A_269 = arith.constant 0 : index
    %swap3A_270 = tpu.vector_load %arg8[%swap3A_268, %swap3A_269] {strides = array<i32>} : memref<4x128xi32, #tpu.memory_space<vmem>>, vector<1x16xi32>,
    %swap3A_271 = vector.shape_cast %swap3A_270 : vector<1x16xi32> to vector<16xi32>
    %swap3A_272 = vector.shape_cast %add3A_266 : vector<16xi32> to vector<1x16xi32>
    tpu.vector_store %arg8[%swap3A_268, %swap3A_269], %swap3A_272 {strides = array<i32>} : memref<4x128xi32, #tpu.memory_space<vmem>>, vector<1x16xi32>,
    %get3A_273 = arith.constant 272 : index
    %get3A_274 = tpu.vector_load %arg6[%get3A_273] {strides = array<i32>} : memref<512xi32, #tpu.memory_space<vmem>>, vector<16xi32>,
    %get3A_275 = vector.shape_cast %get3A_274 : vector<16xi32> to vector<16xi32>
    %get3A_276 = arith.constant 272 : index
    %get3A_277 = tpu.vector_load %arg7[%get3A_276] {strides = array<i32>} : memref<512xi32, #tpu.memory_space<vmem>>, vector<16xi32>,
    %get3A_278 = vector.shape_cast %get3A_277 : vector<16xi32> to vector<16xi32>
    %mul3A_279 = arith.constant 2048 : i32
    %mul3A_280 = vector.broadcast %mul3A_279 : i32 to vector<16xi32>
    %mul3A_281 = arith.muli %get3A_275, %mul3A_280 : vector<16xi32>
    %add3A_282 = arith.addi %mul3A_281, %get3A_278 : vector<16xi32>
    %swap3A_283 = arith.constant 2 : i32
    %swap3A_284 = arith.index_cast %swap3A_283 : i32 to index
    %swap3A_285 = arith.constant 16 : index
    %swap3A_286 = tpu.vector_load %arg8[%swap3A_284, %swap3A_285] {strides = array<i32>} : memref<4x128xi32, #tpu.memory_space<vmem>>, vector<1x16xi32>,
    %swap3A_287 = vector.shape_cast %swap3A_286 : vector<1x16xi32> to vector<16xi32>
    %swap3A_288 = vector.shape_cast %add3A_282 : vector<16xi32> to vector<1x16xi32>
    tpu.vector_store %arg8[%swap3A_284, %swap3A_285], %swap3A_288 {strides = array<i32>} : memref<4x128xi32, #tpu.memory_space<vmem>>, vector<1x16xi32>,
    %get3A_289 = arith.constant 288 : index
    %get3A_290 = tpu.vector_load %arg6[%get3A_289] {strides = array<i32>} : memref<512xi32, #tpu.memory_space<vmem>>, vector<16xi32>,
    %get3A_291 = vector.shape_cast %get3A_290 : vector<16xi32> to vector<16xi32>
    %get3A_292 = arith.constant 288 : index
    %get3A_293 = tpu.vector_load %arg7[%get3A_292] {strides = array<i32>} : memref<512xi32, #tpu.memory_space<vmem>>, vector<16xi32>,
    %get3A_294 = vector.shape_cast %get3A_293 : vector<16xi32> to vector<16xi32>
    %mul3A_295 = arith.constant 2048 : i32
    %mul3A_296 = vector.broadcast %mul3A_295 : i32 to vector<16xi32>
    %mul3A_297 = arith.muli %get3A_291, %mul3A_296 : vector<16xi32>
    %add3A_298 = arith.addi %mul3A_297, %get3A_294 : vector<16xi32>
    %swap3A_299 = arith.constant 2 : i32
    %swap3A_300 = arith.index_cast %swap3A_299 : i32 to index
    %swap3A_301 = arith.constant 32 : index
    %swap3A_302 = tpu.vector_load %arg8[%swap3A_300, %swap3A_301] {strides = array<i32>} : memref<4x128xi32, #tpu.memory_space<vmem>>, vector<1x16xi32>,
    %swap3A_303 = vector.shape_cast %swap3A_302 : vector<1x16xi32> to vector<16xi32>
    %swap3A_304 = vector.shape_cast %add3A_298 : vector<16xi32> to vector<1x16xi32>
    tpu.vector_store %arg8[%swap3A_300, %swap3A_301], %swap3A_304 {strides = array<i32>} : memref<4x128xi32, #tpu.memory_space<vmem>>, vector<1x16xi32>,
    %get3A_305 = arith.constant 304 : index
    %get3A_306 = tpu.vector_load %arg6[%get3A_305] {strides = array<i32>} : memref<512xi32, #tpu.memory_space<vmem>>, vector<16xi32>,
    %get3A_307 = vector.shape_cast %get3A_306 : vector<16xi32> to vector<16xi32>
    %get3A_308 = arith.constant 304 : index
    %get3A_309 = tpu.vector_load %arg7[%get3A_308] {strides = array<i32>} : memref<512xi32, #tpu.memory_space<vmem>>, vector<16xi32>,
    %get3A_310 = vector.shape_cast %get3A_309 : vector<16xi32> to vector<16xi32>
    %mul3A_311 = arith.constant 2048 : i32
    %mul3A_312 = vector.broadcast %mul3A_311 : i32 to vector<16xi32>
    %mul3A_313 = arith.muli %get3A_307, %mul3A_312 : vector<16xi32>
    %add3A_314 = arith.addi %mul3A_313, %get3A_310 : vector<16xi32>
    %swap3A_315 = arith.constant 2 : i32
    %swap3A_316 = arith.index_cast %swap3A_315 : i32 to index
    %swap3A_317 = arith.constant 48 : index
    %swap3A_318 = tpu.vector_load %arg8[%swap3A_316, %swap3A_317] {strides = array<i32>} : memref<4x128xi32, #tpu.memory_space<vmem>>, vector<1x16xi32>,
    %swap3A_319 = vector.shape_cast %swap3A_318 : vector<1x16xi32> to vector<16xi32>
    %swap3A_320 = vector.shape_cast %add3A_314 : vector<16xi32> to vector<1x16xi32>
    tpu.vector_store %arg8[%swap3A_316, %swap3A_317], %swap3A_320 {strides = array<i32>} : memref<4x128xi32, #tpu.memory_space<vmem>>, vector<1x16xi32>,
    %get3A_321 = arith.constant 320 : index
    %get3A_322 = tpu.vector_load %arg6[%get3A_321] {strides = array<i32>} : memref<512xi32, #tpu.memory_space<vmem>>, vector<16xi32>,
    %get3A_323 = vector.shape_cast %get3A_322 : vector<16xi32> to vector<16xi32>
    %get3A_324 = arith.constant 320 : index
    %get3A_325 = tpu.vector_load %arg7[%get3A_324] {strides = array<i32>} : memref<512xi32, #tpu.memory_space<vmem>>, vector<16xi32>,
    %get3A_326 = vector.shape_cast %get3A_325 : vector<16xi32> to vector<16xi32>
    %mul3A_327 = arith.constant 2048 : i32
    %mul3A_328 = vector.broadcast %mul3A_327 : i32 to vector<16xi32>
    %mul3A_329 = arith.muli %get3A_323, %mul3A_328 : vector<16xi32>
    %add3A_330 = arith.addi %mul3A_329, %get3A_326 : vector<16xi32>
    %swap3A_331 = arith.constant 2 : i32
    %swap3A_332 = arith.index_cast %swap3A_331 : i32 to index
    %swap3A_333 = arith.constant 64 : index
    %swap3A_334 = tpu.vector_load %arg8[%swap3A_332, %swap3A_333] {strides = array<i32>} : memref<4x128xi32, #tpu.memory_space<vmem>>, vector<1x16xi32>,
    %swap3A_335 = vector.shape_cast %swap3A_334 : vector<1x16xi32> to vector<16xi32>
    %swap3A_336 = vector.shape_cast %add3A_330 : vector<16xi32> to vector<1x16xi32>
    tpu.vector_store %arg8[%swap3A_332, %swap3A_333], %swap3A_336 {strides = array<i32>} : memref<4x128xi32, #tpu.memory_space<vmem>>, vector<1x16xi32>,
    %get3A_337 = arith.constant 336 : index
    %get3A_338 = tpu.vector_load %arg6[%get3A_337] {strides = array<i32>} : memref<512xi32, #tpu.memory_space<vmem>>, vector<16xi32>,
    %get3A_339 = vector.shape_cast %get3A_338 : vector<16xi32> to vector<16xi32>
    %get3A_340 = arith.constant 336 : index
    %get3A_341 = tpu.vector_load %arg7[%get3A_340] {strides = array<i32>} : memref<512xi32, #tpu.memory_space<vmem>>, vector<16xi32>,
    %get3A_342 = vector.shape_cast %get3A_341 : vector<16xi32> to vector<16xi32>
    %mul3A_343 = arith.constant 2048 : i32
    %mul3A_344 = vector.broadcast %mul3A_343 : i32 to vector<16xi32>
    %mul3A_345 = arith.muli %get3A_339, %mul3A_344 : vector<16xi32>
    %add3A_346 = arith.addi %mul3A_345, %get3A_342 : vector<16xi32>
    %swap3A_347 = arith.constant 2 : i32
    %swap3A_348 = arith.index_cast %swap3A_347 : i32 to index
    %swap3A_349 = arith.constant 80 : index
    %swap3A_350 = tpu.vector_load %arg8[%swap3A_348, %swap3A_349] {strides = array<i32>} : memref<4x128xi32, #tpu.memory_space<vmem>>, vector<1x16xi32>,
    %swap3A_351 = vector.shape_cast %swap3A_350 : vector<1x16xi32> to vector<16xi32>
    %swap3A_352 = vector.shape_cast %add3A_346 : vector<16xi32> to vector<1x16xi32>
    tpu.vector_store %arg8[%swap3A_348, %swap3A_349], %swap3A_352 {strides = array<i32>} : memref<4x128xi32, #tpu.memory_space<vmem>>, vector<1x16xi32>,
    %get3A_353 = arith.constant 352 : index
    %get3A_354 = tpu.vector_load %arg6[%get3A_353] {strides = array<i32>} : memref<512xi32, #tpu.memory_space<vmem>>, vector<16xi32>,
    %get3A_355 = vector.shape_cast %get3A_354 : vector<16xi32> to vector<16xi32>
    %get3A_356 = arith.constant 352 : index
    %get3A_357 = tpu.vector_load %arg7[%get3A_356] {strides = array<i32>} : memref<512xi32, #tpu.memory_space<vmem>>, vector<16xi32>,
    %get3A_358 = vector.shape_cast %get3A_357 : vector<16xi32> to vector<16xi32>
    %mul3A_359 = arith.constant 2048 : i32
    %mul3A_360 = vector.broadcast %mul3A_359 : i32 to vector<16xi32>
    %mul3A_361 = arith.muli %get3A_355, %mul3A_360 : vector<16xi32>
    %add3A_362 = arith.addi %mul3A_361, %get3A_358 : vector<16xi32>
    %swap3A_363 = arith.constant 2 : i32
    %swap3A_364 = arith.index_cast %swap3A_363 : i32 to index
    %swap3A_365 = arith.constant 96 : index
    %swap3A_366 = tpu.vector_load %arg8[%swap3A_364, %swap3A_365] {strides = array<i32>} : memref<4x128xi32, #tpu.memory_space<vmem>>, vector<1x16xi32>,
    %swap3A_367 = vector.shape_cast %swap3A_366 : vector<1x16xi32> to vector<16xi32>
    %swap3A_368 = vector.shape_cast %add3A_362 : vector<16xi32> to vector<1x16xi32>
    tpu.vector_store %arg8[%swap3A_364, %swap3A_365], %swap3A_368 {strides = array<i32>} : memref<4x128xi32, #tpu.memory_space<vmem>>, vector<1x16xi32>,
    %get3A_369 = arith.constant 368 : index
    %get3A_370 = tpu.vector_load %arg6[%get3A_369] {strides = array<i32>} : memref<512xi32, #tpu.memory_space<vmem>>, vector<16xi32>,
    %get3A_371 = vector.shape_cast %get3A_370 : vector<16xi32> to vector<16xi32>
    %get3A_372 = arith.constant 368 : index
    %get3A_373 = tpu.vector_load %arg7[%get3A_372] {strides = array<i32>} : memref<512xi32, #tpu.memory_space<vmem>>, vector<16xi32>,
    %get3A_374 = vector.shape_cast %get3A_373 : vector<16xi32> to vector<16xi32>
    %mul3A_375 = arith.constant 2048 : i32
    %mul3A_376 = vector.broadcast %mul3A_375 : i32 to vector<16xi32>
    %mul3A_377 = arith.muli %get3A_371, %mul3A_376 : vector<16xi32>
    %add3A_378 = arith.addi %mul3A_377, %get3A_374 : vector<16xi32>
    %swap3A_379 = arith.constant 2 : i32
    %swap3A_380 = arith.index_cast %swap3A_379 : i32 to index
    %swap3A_381 = arith.constant 112 : index
    %swap3A_382 = tpu.vector_load %arg8[%swap3A_380, %swap3A_381] {strides = array<i32>} : memref<4x128xi32, #tpu.memory_space<vmem>>, vector<1x16xi32>,
    %swap3A_383 = vector.shape_cast %swap3A_382 : vector<1x16xi32> to vector<16xi32>
    %swap3A_384 = vector.shape_cast %add3A_378 : vector<16xi32> to vector<1x16xi32>
    tpu.vector_store %arg8[%swap3A_380, %swap3A_381], %swap3A_384 {strides = array<i32>} : memref<4x128xi32, #tpu.memory_space<vmem>>, vector<1x16xi32>,
    %get3A_385 = arith.constant 384 : index
    %get3A_386 = tpu.vector_load %arg6[%get3A_385] {strides = array<i32>} : memref<512xi32, #tpu.memory_space<vmem>>, vector<16xi32>,
    %get3A_387 = vector.shape_cast %get3A_386 : vector<16xi32> to vector<16xi32>
    %get3A_388 = arith.constant 384 : index
    %get3A_389 = tpu.vector_load %arg7[%get3A_388] {strides = array<i32>} : memref<512xi32, #tpu.memory_space<vmem>>, vector<16xi32>,
    %get3A_390 = vector.shape_cast %get3A_389 : vector<16xi32> to vector<16xi32>
    %mul3A_391 = arith.constant 2048 : i32
    %mul3A_392 = vector.broadcast %mul3A_391 : i32 to vector<16xi32>
    %mul3A_393 = arith.muli %get3A_387, %mul3A_392 : vector<16xi32>
    %add3A_394 = arith.addi %mul3A_393, %get3A_390 : vector<16xi32>
    %swap3A_395 = arith.constant 3 : i32
    %swap3A_396 = arith.index_cast %swap3A_395 : i32 to index
    %swap3A_397 = arith.constant 0 : index
    %swap3A_398 = tpu.vector_load %arg8[%swap3A_396, %swap3A_397] {strides = array<i32>} : memref<4x128xi32, #tpu.memory_space<vmem>>, vector<1x16xi32>,
    %swap3A_399 = vector.shape_cast %swap3A_398 : vector<1x16xi32> to vector<16xi32>
    %swap3A_400 = vector.shape_cast %add3A_394 : vector<16xi32> to vector<1x16xi32>
    tpu.vector_store %arg8[%swap3A_396, %swap3A_397], %swap3A_400 {strides = array<i32>} : memref<4x128xi32, #tpu.memory_space<vmem>>, vector<1x16xi32>,
    %get3A_401 = arith.constant 400 : index
    %get3A_402 = tpu.vector_load %arg6[%get3A_401] {strides = array<i32>} : memref<512xi32, #tpu.memory_space<vmem>>, vector<16xi32>,
    %get3A_403 = vector.shape_cast %get3A_402 : vector<16xi32> to vector<16xi32>
    %get3A_404 = arith.constant 400 : index
    %get3A_405 = tpu.vector_load %arg7[%get3A_404] {strides = array<i32>} : memref<512xi32, #tpu.memory_space<vmem>>, vector<16xi32>,
    %get3A_406 = vector.shape_cast %get3A_405 : vector<16xi32> to vector<16xi32>
    %mul3A_407 = arith.constant 2048 : i32
    %mul3A_408 = vector.broadcast %mul3A_407 : i32 to vector<16xi32>
    %mul3A_409 = arith.muli %get3A_403, %mul3A_408 : vector<16xi32>
    %add3A_410 = arith.addi %mul3A_409, %get3A_406 : vector<16xi32>
    %swap3A_411 = arith.constant 3 : i32
    %swap3A_412 = arith.index_cast %swap3A_411 : i32 to index
    %swap3A_413 = arith.constant 16 : index
    %swap3A_414 = tpu.vector_load %arg8[%swap3A_412, %swap3A_413] {strides = array<i32>} : memref<4x128xi32, #tpu.memory_space<vmem>>, vector<1x16xi32>,
    %swap3A_415 = vector.shape_cast %swap3A_414 : vector<1x16xi32> to vector<16xi32>
    %swap3A_416 = vector.shape_cast %add3A_410 : vector<16xi32> to vector<1x16xi32>
    tpu.vector_store %arg8[%swap3A_412, %swap3A_413], %swap3A_416 {strides = array<i32>} : memref<4x128xi32, #tpu.memory_space<vmem>>, vector<1x16xi32>,
    %get3A_417 = arith.constant 416 : index
    %get3A_418 = tpu.vector_load %arg6[%get3A_417] {strides = array<i32>} : memref<512xi32, #tpu.memory_space<vmem>>, vector<16xi32>,
    %get3A_419 = vector.shape_cast %get3A_418 : vector<16xi32> to vector<16xi32>
    %get3A_420 = arith.constant 416 : index
    %get3A_421 = tpu.vector_load %arg7[%get3A_420] {strides = array<i32>} : memref<512xi32, #tpu.memory_space<vmem>>, vector<16xi32>,
    %get3A_422 = vector.shape_cast %get3A_421 : vector<16xi32> to vector<16xi32>
    %mul3A_423 = arith.constant 2048 : i32
    %mul3A_424 = vector.broadcast %mul3A_423 : i32 to vector<16xi32>
    %mul3A_425 = arith.muli %get3A_419, %mul3A_424 : vector<16xi32>
    %add3A_426 = arith.addi %mul3A_425, %get3A_422 : vector<16xi32>
    %swap3A_427 = arith.constant 3 : i32
    %swap3A_428 = arith.index_cast %swap3A_427 : i32 to index
    %swap3A_429 = arith.constant 32 : index
    %swap3A_430 = tpu.vector_load %arg8[%swap3A_428, %swap3A_429] {strides = array<i32>} : memref<4x128xi32, #tpu.memory_space<vmem>>, vector<1x16xi32>,
    %swap3A_431 = vector.shape_cast %swap3A_430 : vector<1x16xi32> to vector<16xi32>
    %swap3A_432 = vector.shape_cast %add3A_426 : vector<16xi32> to vector<1x16xi32>
    tpu.vector_store %arg8[%swap3A_428, %swap3A_429], %swap3A_432 {strides = array<i32>} : memref<4x128xi32, #tpu.memory_space<vmem>>, vector<1x16xi32>,
    %get3A_433 = arith.constant 432 : index
    %get3A_434 = tpu.vector_load %arg6[%get3A_433] {strides = array<i32>} : memref<512xi32, #tpu.memory_space<vmem>>, vector<16xi32>,
    %get3A_435 = vector.shape_cast %get3A_434 : vector<16xi32> to vector<16xi32>
    %get3A_436 = arith.constant 432 : index
    %get3A_437 = tpu.vector_load %arg7[%get3A_436] {strides = array<i32>} : memref<512xi32, #tpu.memory_space<vmem>>, vector<16xi32>,
    %get3A_438 = vector.shape_cast %get3A_437 : vector<16xi32> to vector<16xi32>
    %mul3A_439 = arith.constant 2048 : i32
    %mul3A_440 = vector.broadcast %mul3A_439 : i32 to vector<16xi32>
    %mul3A_441 = arith.muli %get3A_435, %mul3A_440 : vector<16xi32>
    %add3A_442 = arith.addi %mul3A_441, %get3A_438 : vector<16xi32>
    %swap3A_443 = arith.constant 3 : i32
    %swap3A_444 = arith.index_cast %swap3A_443 : i32 to index
    %swap3A_445 = arith.constant 48 : index
    %swap3A_446 = tpu.vector_load %arg8[%swap3A_444, %swap3A_445] {strides = array<i32>} : memref<4x128xi32, #tpu.memory_space<vmem>>, vector<1x16xi32>,
    %swap3A_447 = vector.shape_cast %swap3A_446 : vector<1x16xi32> to vector<16xi32>
    %swap3A_448 = vector.shape_cast %add3A_442 : vector<16xi32> to vector<1x16xi32>
    tpu.vector_store %arg8[%swap3A_444, %swap3A_445], %swap3A_448 {strides = array<i32>} : memref<4x128xi32, #tpu.memory_space<vmem>>, vector<1x16xi32>,
    %get3A_449 = arith.constant 448 : index
    %get3A_450 = tpu.vector_load %arg6[%get3A_449] {strides = array<i32>} : memref<512xi32, #tpu.memory_space<vmem>>, vector<16xi32>,
    %get3A_451 = vector.shape_cast %get3A_450 : vector<16xi32> to vector<16xi32>
    %get3A_452 = arith.constant 448 : index
    %get3A_453 = tpu.vector_load %arg7[%get3A_452] {strides = array<i32>} : memref<512xi32, #tpu.memory_space<vmem>>, vector<16xi32>,
    %get3A_454 = vector.shape_cast %get3A_453 : vector<16xi32> to vector<16xi32>
    %mul3A_455 = arith.constant 2048 : i32
    %mul3A_456 = vector.broadcast %mul3A_455 : i32 to vector<16xi32>
    %mul3A_457 = arith.muli %get3A_451, %mul3A_456 : vector<16xi32>
    %add3A_458 = arith.addi %mul3A_457, %get3A_454 : vector<16xi32>
    %swap3A_459 = arith.constant 3 : i32
    %swap3A_460 = arith.index_cast %swap3A_459 : i32 to index
    %swap3A_461 = arith.constant 64 : index
    %swap3A_462 = tpu.vector_load %arg8[%swap3A_460, %swap3A_461] {strides = array<i32>} : memref<4x128xi32, #tpu.memory_space<vmem>>, vector<1x16xi32>,
    %swap3A_463 = vector.shape_cast %swap3A_462 : vector<1x16xi32> to vector<16xi32>
    %swap3A_464 = vector.shape_cast %add3A_458 : vector<16xi32> to vector<1x16xi32>
    tpu.vector_store %arg8[%swap3A_460, %swap3A_461], %swap3A_464 {strides = array<i32>} : memref<4x128xi32, #tpu.memory_space<vmem>>, vector<1x16xi32>,
    %get3A_465 = arith.constant 464 : index
    %get3A_466 = tpu.vector_load %arg6[%get3A_465] {strides = array<i32>} : memref<512xi32, #tpu.memory_space<vmem>>, vector<16xi32>,
    %get3A_467 = vector.shape_cast %get3A_466 : vector<16xi32> to vector<16xi32>
    %get3A_468 = arith.constant 464 : index
    %get3A_469 = tpu.vector_load %arg7[%get3A_468] {strides = array<i32>} : memref<512xi32, #tpu.memory_space<vmem>>, vector<16xi32>,
    %get3A_470 = vector.shape_cast %get3A_469 : vector<16xi32> to vector<16xi32>
    %mul3A_471 = arith.constant 2048 : i32
    %mul3A_472 = vector.broadcast %mul3A_471 : i32 to vector<16xi32>
    %mul3A_473 = arith.muli %get3A_467, %mul3A_472 : vector<16xi32>
    %add3A_474 = arith.addi %mul3A_473, %get3A_470 : vector<16xi32>
    %swap3A_475 = arith.constant 3 : i32
    %swap3A_476 = arith.index_cast %swap3A_475 : i32 to index
    %swap3A_477 = arith.constant 80 : index
    %swap3A_478 = tpu.vector_load %arg8[%swap3A_476, %swap3A_477] {strides = array<i32>} : memref<4x128xi32, #tpu.memory_space<vmem>>, vector<1x16xi32>,
    %swap3A_479 = vector.shape_cast %swap3A_478 : vector<1x16xi32> to vector<16xi32>
    %swap3A_480 = vector.shape_cast %add3A_474 : vector<16xi32> to vector<1x16xi32>
    tpu.vector_store %arg8[%swap3A_476, %swap3A_477], %swap3A_480 {strides = array<i32>} : memref<4x128xi32, #tpu.memory_space<vmem>>, vector<1x16xi32>,
    %get3A_481 = arith.constant 480 : index
    %get3A_482 = tpu.vector_load %arg6[%get3A_481] {strides = array<i32>} : memref<512xi32, #tpu.memory_space<vmem>>, vector<16xi32>,
    %get3A_483 = vector.shape_cast %get3A_482 : vector<16xi32> to vector<16xi32>
    %get3A_484 = arith.constant 480 : index
    %get3A_485 = tpu.vector_load %arg7[%get3A_484] {strides = array<i32>} : memref<512xi32, #tpu.memory_space<vmem>>, vector<16xi32>,
    %get3A_486 = vector.shape_cast %get3A_485 : vector<16xi32> to vector<16xi32>
    %mul3A_487 = arith.constant 2048 : i32
    %mul3A_488 = vector.broadcast %mul3A_487 : i32 to vector<16xi32>
    %mul3A_489 = arith.muli %get3A_483, %mul3A_488 : vector<16xi32>
    %add3A_490 = arith.addi %mul3A_489, %get3A_486 : vector<16xi32>
    %swap3A_491 = arith.constant 3 : i32
    %swap3A_492 = arith.index_cast %swap3A_491 : i32 to index
    %swap3A_493 = arith.constant 96 : index
    %swap3A_494 = tpu.vector_load %arg8[%swap3A_492, %swap3A_493] {strides = array<i32>} : memref<4x128xi32, #tpu.memory_space<vmem>>, vector<1x16xi32>,
    %swap3A_495 = vector.shape_cast %swap3A_494 : vector<1x16xi32> to vector<16xi32>
    %swap3A_496 = vector.shape_cast %add3A_490 : vector<16xi32> to vector<1x16xi32>
    tpu.vector_store %arg8[%swap3A_492, %swap3A_493], %swap3A_496 {strides = array<i32>} : memref<4x128xi32, #tpu.memory_space<vmem>>, vector<1x16xi32>,
    %get3A_497 = arith.constant 496 : index
    %get3A_498 = tpu.vector_load %arg6[%get3A_497] {strides = array<i32>} : memref<512xi32, #tpu.memory_space<vmem>>, vector<16xi32>,
    %get3A_499 = vector.shape_cast %get3A_498 : vector<16xi32> to vector<16xi32>
    %get3A_500 = arith.constant 496 : index
    %get3A_501 = tpu.vector_load %arg7[%get3A_500] {strides = array<i32>} : memref<512xi32, #tpu.memory_space<vmem>>, vector<16xi32>,
    %get3A_502 = vector.shape_cast %get3A_501 : vector<16xi32> to vector<16xi32>
    %mul3A_503 = arith.constant 2048 : i32
    %mul3A_504 = vector.broadcast %mul3A_503 : i32 to vector<16xi32>
    %mul3A_505 = arith.muli %get3A_499, %mul3A_504 : vector<16xi32>
    %add3A_506 = arith.addi %mul3A_505, %get3A_502 : vector<16xi32>
    %swap3A_507 = arith.constant 3 : i32
    %swap3A_508 = arith.index_cast %swap3A_507 : i32 to index
    %swap3A_509 = arith.constant 112 : index
    %swap3A_510 = tpu.vector_load %arg8[%swap3A_508, %swap3A_509] {strides = array<i32>} : memref<4x128xi32, #tpu.memory_space<vmem>>, vector<1x16xi32>,
    %swap3A_511 = vector.shape_cast %swap3A_510 : vector<1x16xi32> to vector<16xi32>
    %swap3A_512 = vector.shape_cast %add3A_506 : vector<16xi32> to vector<1x16xi32>
    tpu.vector_store %arg8[%swap3A_508, %swap3A_509], %swap3A_512 {strides = array<i32>} : memref<4x128xi32, #tpu.memory_space<vmem>>, vector<1x16xi32>,
    %dma_start3A = arith.constant 0 : i32
    %dma_start3A_513 = arith.constant 0 : i32
    %dma_start3A_514 = tpu.memref_slice %arg9[%dma_start3A_513] : memref<512xf32, #tpu.memory_space<vmem>> -> memref<128xf32, #tpu.memory_space<vmem>>
    %dma_start3A_515 = arith.constant 0 : i32
    %dma_start3A_516 = tpu.memref_slice %arg8[%dma_start3A, %dma_start3A_515] : memref<4x128xi32, #tpu.memory_space<vmem>> -> memref<1x128xi32, #tpu.memory_space<vmem>>
    %dma_start3A_517 = tpu.memref_squeeze %dma_start3A_516 : memref<1x128xi32, #tpu.memory_space<vmem>> -> memref<128xi32, #tpu.memory_space<vmem>>
    %dma_start3A_518 = arith.constant 0 : i32
    %dma_start3A_519 = tpu.memref_slice %arg2[%dma_start3A_518] : memref<4194304xf32, #tpu.memory_space<hbm>> -> memref<4194304xf32, #tpu.memory_space<hbm>>
    tpu.enqueue_indirect_dma source(%dma_start3A_519 : memref<4194304xf32, #tpu.memory_space<hbm>>) target(%dma_start3A_514 : memref<128xf32, #tpu.memory_space<vmem>>) offsets(%dma_start3A_517 : memref<128xi32, #tpu.memory_space<vmem>>) semaphore(%arg10 : memref<!tpu.dma_semaphore, #tpu.memory_space<semaphore_mem>>)
    %dma_start3A_520 = arith.constant 1 : i32
    %dma_start3A_521 = arith.constant 128 : i32
    %dma_start3A_522 = tpu.memref_slice %arg9[%dma_start3A_521] : memref<512xf32, #tpu.memory_space<vmem>> -> memref<128xf32, #tpu.memory_space<vmem>>
    %dma_start3A_523 = arith.constant 0 : i32
    %dma_start3A_524 = tpu.memref_slice %arg8[%dma_start3A_520, %dma_start3A_523] : memref<4x128xi32, #tpu.memory_space<vmem>> -> memref<1x128xi32, #tpu.memory_space<vmem>>
    %dma_start3A_525 = tpu.memref_squeeze %dma_start3A_524 : memref<1x128xi32, #tpu.memory_space<vmem>> -> memref<128xi32, #tpu.memory_space<vmem>>
    %dma_start3A_526 = arith.constant 0 : i32
    %dma_start3A_527 = tpu.memref_slice %arg2[%dma_start3A_526] : memref<4194304xf32, #tpu.memory_space<hbm>> -> memref<4194304xf32, #tpu.memory_space<hbm>>
    tpu.enqueue_indirect_dma source(%dma_start3A_527 : memref<4194304xf32, #tpu.memory_space<hbm>>) target(%dma_start3A_522 : memref<128xf32, #tpu.memory_space<vmem>>) offsets(%dma_start3A_525 : memref<128xi32, #tpu.memory_space<vmem>>) semaphore(%arg10 : memref<!tpu.dma_semaphore, #tpu.memory_space<semaphore_mem>>)
    %dma_start3A_528 = arith.constant 2 : i32
    %dma_start3A_529 = arith.constant 256 : i32
    %dma_start3A_530 = tpu.memref_slice %arg9[%dma_start3A_529] : memref<512xf32, #tpu.memory_space<vmem>> -> memref<128xf32, #tpu.memory_space<vmem>>
    %dma_start3A_531 = arith.constant 0 : i32
    %dma_start3A_532 = tpu.memref_slice %arg8[%dma_start3A_528, %dma_start3A_531] : memref<4x128xi32, #tpu.memory_space<vmem>> -> memref<1x128xi32, #tpu.memory_space<vmem>>
    %dma_start3A_533 = tpu.memref_squeeze %dma_start3A_532 : memref<1x128xi32, #tpu.memory_space<vmem>> -> memref<128xi32, #tpu.memory_space<vmem>>
    %dma_start3A_534 = arith.constant 0 : i32
    %dma_start3A_535 = tpu.memref_slice %arg2[%dma_start3A_534] : memref<4194304xf32, #tpu.memory_space<hbm>> -> memref<4194304xf32, #tpu.memory_space<hbm>>
    tpu.enqueue_indirect_dma source(%dma_start3A_535 : memref<4194304xf32, #tpu.memory_space<hbm>>) target(%dma_start3A_530 : memref<128xf32, #tpu.memory_space<vmem>>) offsets(%dma_start3A_533 : memref<128xi32, #tpu.memory_space<vmem>>) semaphore(%arg10 : memref<!tpu.dma_semaphore, #tpu.memory_space<semaphore_mem>>)
    %dma_start3A_536 = arith.constant 3 : i32
    %dma_start3A_537 = arith.constant 384 : i32
    %dma_start3A_538 = tpu.memref_slice %arg9[%dma_start3A_537] : memref<512xf32, #tpu.memory_space<vmem>> -> memref<128xf32, #tpu.memory_space<vmem>>
    %dma_start3A_539 = arith.constant 0 : i32
    %dma_start3A_540 = tpu.memref_slice %arg8[%dma_start3A_536, %dma_start3A_539] : memref<4x128xi32, #tpu.memory_space<vmem>> -> memref<1x128xi32, #tpu.memory_space<vmem>>
    %dma_start3A_541 = tpu.memref_squeeze %dma_start3A_540 : memref<1x128xi32, #tpu.memory_space<vmem>> -> memref<128xi32, #tpu.memory_space<vmem>>
    %dma_start3A_542 = arith.constant 0 : i32
    %dma_start3A_543 = tpu.memref_slice %arg2[%dma_start3A_542] : memref<4194304xf32, #tpu.memory_space<hbm>> -> memref<4194304xf32, #tpu.memory_space<hbm>>
    tpu.enqueue_indirect_dma source(%dma_start3A_543 : memref<4194304xf32, #tpu.memory_space<hbm>>) target(%dma_start3A_538 : memref<128xf32, #tpu.memory_space<vmem>>) offsets(%dma_start3A_541 : memref<128xi32, #tpu.memory_space<vmem>>) semaphore(%arg10 : memref<!tpu.dma_semaphore, #tpu.memory_space<semaphore_mem>>)
    %dma_wait3A = arith.constant 0 : i32
    %dma_wait3A_544 = arith.constant 0 : i32
    %dma_wait3A_545 = tpu.memref_slice %arg9[%dma_wait3A_544] : memref<512xf32, #tpu.memory_space<vmem>> -> memref<128xf32, #tpu.memory_space<vmem>>
    %dma_wait3A_546 = arith.constant 0 : i32
    %dma_wait3A_547 = tpu.memref_slice %arg8[%dma_wait3A, %dma_wait3A_546] : memref<4x128xi32, #tpu.memory_space<vmem>> -> memref<1x128xi32, #tpu.memory_space<vmem>>
    %dma_wait3A_548 = tpu.memref_squeeze %dma_wait3A_547 : memref<1x128xi32, #tpu.memory_space<vmem>> -> memref<128xi32, #tpu.memory_space<vmem>>
    %dma_wait3A_549 = arith.constant 0 : i32
    %dma_wait3A_550 = tpu.memref_slice %arg2[%dma_wait3A_549] : memref<4194304xf32, #tpu.memory_space<hbm>> -> memref<4194304xf32, #tpu.memory_space<hbm>>
    tpu.wait_indirect_dma semaphore(%arg10 : memref<!tpu.dma_semaphore, #tpu.memory_space<semaphore_mem>>) src(%dma_wait3A_550 : memref<4194304xf32, #tpu.memory_space<hbm>>) dst(%dma_wait3A_545 : memref<128xf32, #tpu.memory_space<vmem>>)
    %dma_wait3A_551 = arith.constant 1 : i32
    %dma_wait3A_552 = arith.constant 128 : i32
    %dma_wait3A_553 = tpu.memref_slice %arg9[%dma_wait3A_552] : memref<512xf32, #tpu.memory_space<vmem>> -> memref<128xf32, #tpu.memory_space<vmem>>
    %dma_wait3A_554 = arith.constant 0 : i32
    %dma_wait3A_555 = tpu.memref_slice %arg8[%dma_wait3A_551, %dma_wait3A_554] : memref<4x128xi32, #tpu.memory_space<vmem>> -> memref<1x128xi32, #tpu.memory_space<vmem>>
    %dma_wait3A_556 = tpu.memref_squeeze %dma_wait3A_555 : memref<1x128xi32, #tpu.memory_space<vmem>> -> memref<128xi32, #tpu.memory_space<vmem>>
    %dma_wait3A_557 = arith.constant 0 : i32
    %dma_wait3A_558 = tpu.memref_slice %arg2[%dma_wait3A_557] : memref<4194304xf32, #tpu.memory_space<hbm>> -> memref<4194304xf32, #tpu.memory_space<hbm>>
    tpu.wait_indirect_dma semaphore(%arg10 : memref<!tpu.dma_semaphore, #tpu.memory_space<semaphore_mem>>) src(%dma_wait3A_558 : memref<4194304xf32, #tpu.memory_space<hbm>>) dst(%dma_wait3A_553 : memref<128xf32, #tpu.memory_space<vmem>>)
    %dma_wait3A_559 = arith.constant 2 : i32
    %dma_wait3A_560 = arith.constant 256 : i32
    %dma_wait3A_561 = tpu.memref_slice %arg9[%dma_wait3A_560] : memref<512xf32, #tpu.memory_space<vmem>> -> memref<128xf32, #tpu.memory_space<vmem>>
    %dma_wait3A_562 = arith.constant 0 : i32
    %dma_wait3A_563 = tpu.memref_slice %arg8[%dma_wait3A_559, %dma_wait3A_562] : memref<4x128xi32, #tpu.memory_space<vmem>> -> memref<1x128xi32, #tpu.memory_space<vmem>>
    %dma_wait3A_564 = tpu.memref_squeeze %dma_wait3A_563 : memref<1x128xi32, #tpu.memory_space<vmem>> -> memref<128xi32, #tpu.memory_space<vmem>>
    %dma_wait3A_565 = arith.constant 0 : i32
    %dma_wait3A_566 = tpu.memref_slice %arg2[%dma_wait3A_565] : memref<4194304xf32, #tpu.memory_space<hbm>> -> memref<4194304xf32, #tpu.memory_space<hbm>>
    tpu.wait_indirect_dma semaphore(%arg10 : memref<!tpu.dma_semaphore, #tpu.memory_space<semaphore_mem>>) src(%dma_wait3A_566 : memref<4194304xf32, #tpu.memory_space<hbm>>) dst(%dma_wait3A_561 : memref<128xf32, #tpu.memory_space<vmem>>)
    %dma_wait3A_567 = arith.constant 3 : i32
    %dma_wait3A_568 = arith.constant 384 : i32
    %dma_wait3A_569 = tpu.memref_slice %arg9[%dma_wait3A_568] : memref<512xf32, #tpu.memory_space<vmem>> -> memref<128xf32, #tpu.memory_space<vmem>>
    %dma_wait3A_570 = arith.constant 0 : i32
    %dma_wait3A_571 = tpu.memref_slice %arg8[%dma_wait3A_567, %dma_wait3A_570] : memref<4x128xi32, #tpu.memory_space<vmem>> -> memref<1x128xi32, #tpu.memory_space<vmem>>
    %dma_wait3A_572 = tpu.memref_squeeze %dma_wait3A_571 : memref<1x128xi32, #tpu.memory_space<vmem>> -> memref<128xi32, #tpu.memory_space<vmem>>
    %dma_wait3A_573 = arith.constant 0 : i32
    %dma_wait3A_574 = tpu.memref_slice %arg2[%dma_wait3A_573] : memref<4194304xf32, #tpu.memory_space<hbm>> -> memref<4194304xf32, #tpu.memory_space<hbm>>
    tpu.wait_indirect_dma semaphore(%arg10 : memref<!tpu.dma_semaphore, #tpu.memory_space<semaphore_mem>>) src(%dma_wait3A_574 : memref<4194304xf32, #tpu.memory_space<hbm>>) dst(%dma_wait3A_569 : memref<128xf32, #tpu.memory_space<vmem>>)
    "tpu.region"() ({
      %run_scoped3A = tpu.sem_alloc : memref<!tpu.dma_semaphore, #tpu.memory_space<semaphore_mem>>
      %dma_start3A_575 = tpu.memref_slice %arg5[%mul3A_2] : memref<16384xf32, #tpu.memory_space<hbm>> -> memref<512xf32, #tpu.memory_space<hbm>>
      %dma_start3A_576 = tpu.memref_slice %arg5[%mul3A_2] : memref<16384xf32, #tpu.memory_space<hbm>> -> memref<512xf32, #tpu.memory_space<hbm>>
      tpu.enqueue_dma source(%arg9 : memref<512xf32, #tpu.memory_space<vmem>>) target(%dma_start3A_576 : memref<512xf32, #tpu.memory_space<hbm>>) target_semaphore(%run_scoped3A : memref<!tpu.dma_semaphore, #tpu.memory_space<semaphore_mem>>)
      %dma_wait3A_577 = tpu.memref_slice %arg5[%mul3A_2] : memref<16384xf32, #tpu.memory_space<hbm>> -> memref<512xf32, #tpu.memory_space<hbm>>
      %dma_wait3A_578 = tpu.memref_slice %arg5[%mul3A_2] : memref<16384xf32, #tpu.memory_space<hbm>> -> memref<512xf32, #tpu.memory_space<hbm>>
      tpu.wait_dma2 semaphore(%run_scoped3A : memref<!tpu.dma_semaphore, #tpu.memory_space<semaphore_mem>>) src(%arg9 : memref<512xf32, #tpu.memory_space<vmem>>) dst(%dma_wait3A_578 : memref<512xf32, #tpu.memory_space<hbm>>)
      tpu.yield
    }) : () -> ()
    return
  }
}

module attributes {stable_mosaic.version = 14 : i64} {
  func.func @_loss_body(%arg0: memref<1x16384xf32, #tpu.memory_space<vmem>>, %arg1: memref<64x1xf32, #tpu.memory_space<vmem>>, %arg2: memref<64x1xf32, #tpu.memory_space<vmem>>, %arg3: memref<1x64xf32, #tpu.memory_space<vmem>>, %arg4: memref<1x1xf32, #tpu.memory_space<vmem>>, %arg5: memref<1x1xf32, #tpu.memory_space<vmem>>) attributes {dimension_semantics = [], scalar_prefetch = 0 : i64, scratch_operands = 0 : i64, tpu.core_type = #tpu.core_type<tc>} {
    %get3A = arith.constant 0 : index
    %get3A_0 = arith.constant 0 : index
    %get3A_1 = vector.load %arg1[%get3A, %get3A_0] : memref<64x1xf32, #tpu.memory_space<vmem>>, vector<64x1xf32>
    %get3A_2 = arith.constant 0 : index
    %get3A_3 = arith.constant 0 : index
    %get3A_4 = vector.load %arg2[%get3A_2, %get3A_3] : memref<64x1xf32, #tpu.memory_space<vmem>>, vector<64x1xf32>
    %concatenate3A = tpu.concatenate %get3A_1, %get3A_4 in 1 : vector<64x1xf32>, vector<64x1xf32> -> vector<64x2xf32>
    %get3A_5 = arith.constant 0 : index
    %get3A_6 = arith.constant 0 : index
    %get3A_7 = vector.load %arg3[%get3A_5, %get3A_6] : memref<1x64xf32, #tpu.memory_space<vmem>>, vector<1x64xf32>
    %get3A_8 = arith.constant 0 : index
    %get3A_9 = arith.constant 0 : index
    %get3A_10 = vector.load %arg4[%get3A_8, %get3A_9] : memref<1x1xf32, #tpu.memory_space<vmem>>, vector<1x1xf32>
    %broadcast_in_dim3A = arith.constant 1.000000e+00 : f32
    %broadcast_in_dim3A_11 = vector.broadcast %broadcast_in_dim3A : f32 to vector<1x16384xf32>
    %get3A_12 = arith.constant 0 : index
    %get3A_13 = arith.constant 0 : index
    %get3A_14 = vector.load %arg0[%get3A_12, %get3A_13] : memref<1x16384xf32, #tpu.memory_space<vmem>>, vector<1x16384xf32>
    %broadcast_in_dim3A_15 = arith.constant 0.000000e+00 : f32
    %broadcast_in_dim3A_16 = vector.broadcast %broadcast_in_dim3A_15 : f32 to vector<1x16384xf32>
    %tanh3A = math.tanh %get3A_14 : vector<1x16384xf32>
    %mul3A = arith.constant 0.00999999977 : f32
    %mul3A_17 = vector.broadcast %mul3A : f32 to vector<1x16384xf32>
    %mul3A_18 = arith.mulf %mul3A_17, %tanh3A : vector<1x16384xf32>
    %add3A = arith.addf %get3A_14, %mul3A_18 : vector<1x16384xf32>
    %concatenate3A_19 = tpu.concatenate %add3A, %broadcast_in_dim3A_11 in 0 : vector<1x16384xf32>, vector<1x16384xf32> -> vector<2x16384xf32>
    %dot_general3A = arith.constant dense<0.000000e+00> : vector<64x16384xf32>
    %dot_general3A_20 = tpu.matmul %concatenate3A, %concatenate3A_19, %dot_general3A {dimension_numbers = #tpu.dot_dimension_numbers<[1], [0], [0], [1], [0, 0, 1, 1], [], []>, transpose_lhs_hint = false} : vector<64x2xf32>, vector<2x16384xf32>, vector<64x16384xf32> -> vector<64x16384xf32>
    %tanh3A_21 = math.tanh %dot_general3A_20 : vector<64x16384xf32>
    %dot_general3A_22 = arith.constant dense<0.000000e+00> : vector<1x16384xf32>
    %dot_general3A_23 = tpu.matmul %get3A_7, %tanh3A_21, %dot_general3A_22 {dimension_numbers = #tpu.dot_dimension_numbers<[1], [0], [0], [1], [0, 0, 1, 1], [], []>, transpose_lhs_hint = false} : vector<1x64xf32>, vector<64x16384xf32>, vector<1x16384xf32> -> vector<1x16384xf32>
    %sub3A = arith.subf %add3A, %dot_general3A_23 : vector<1x16384xf32>
    %sub3A_24 = vector.broadcast %get3A_10 : vector<1x1xf32> to vector<1x16384xf32>
    %sub3A_25 = arith.subf %sub3A, %sub3A_24 : vector<1x16384xf32>
    %mul3A_26 = arith.mulf %sub3A_25, %sub3A_25 : vector<1x16384xf32>
    %add3A_27 = arith.addf %broadcast_in_dim3A_16, %mul3A_26 : vector<1x16384xf32>
    %tanh3A_28 = math.tanh %add3A : vector<1x16384xf32>
    %mul3A_29 = arith.constant 0.00999999977 : f32
    %mul3A_30 = vector.broadcast %mul3A_29 : f32 to vector<1x16384xf32>
    %mul3A_31 = arith.mulf %mul3A_30, %tanh3A_28 : vector<1x16384xf32>
    %add3A_32 = arith.addf %add3A, %mul3A_31 : vector<1x16384xf32>
    %concatenate3A_33 = tpu.concatenate %add3A_32, %broadcast_in_dim3A_11 in 0 : vector<1x16384xf32>, vector<1x16384xf32> -> vector<2x16384xf32>
    %dot_general3A_34 = arith.constant dense<0.000000e+00> : vector<64x16384xf32>
    %dot_general3A_35 = tpu.matmul %concatenate3A, %concatenate3A_33, %dot_general3A_34 {dimension_numbers = #tpu.dot_dimension_numbers<[1], [0], [0], [1], [0, 0, 1, 1], [], []>, transpose_lhs_hint = false} : vector<64x2xf32>, vector<2x16384xf32>, vector<64x16384xf32> -> vector<64x16384xf32>
    %tanh3A_36 = math.tanh %dot_general3A_35 : vector<64x16384xf32>
    %dot_general3A_37 = arith.constant dense<0.000000e+00> : vector<1x16384xf32>
    %dot_general3A_38 = tpu.matmul %get3A_7, %tanh3A_36, %dot_general3A_37 {dimension_numbers = #tpu.dot_dimension_numbers<[1], [0], [0], [1], [0, 0, 1, 1], [], []>, transpose_lhs_hint = false} : vector<1x64xf32>, vector<64x16384xf32>, vector<1x16384xf32> -> vector<1x16384xf32>
    %sub3A_39 = arith.subf %add3A_32, %dot_general3A_38 : vector<1x16384xf32>
    %sub3A_40 = vector.broadcast %get3A_10 : vector<1x1xf32> to vector<1x16384xf32>
    %sub3A_41 = arith.subf %sub3A_39, %sub3A_40 : vector<1x16384xf32>
    %mul3A_42 = arith.mulf %sub3A_41, %sub3A_41 : vector<1x16384xf32>
    %add3A_43 = arith.addf %add3A_27, %mul3A_42 : vector<1x16384xf32>
    %tanh3A_44 = math.tanh %add3A_32 : vector<1x16384xf32>
    %mul3A_45 = arith.constant 0.00999999977 : f32
    %mul3A_46 = vector.broadcast %mul3A_45 : f32 to vector<1x16384xf32>
    %mul3A_47 = arith.mulf %mul3A_46, %tanh3A_44 : vector<1x16384xf32>
    %add3A_48 = arith.addf %add3A_32, %mul3A_47 : vector<1x16384xf32>
    %concatenate3A_49 = tpu.concatenate %add3A_48, %broadcast_in_dim3A_11 in 0 : vector<1x16384xf32>, vector<1x16384xf32> -> vector<2x16384xf32>
    %dot_general3A_50 = arith.constant dense<0.000000e+00> : vector<64x16384xf32>
    %dot_general3A_51 = tpu.matmul %concatenate3A, %concatenate3A_49, %dot_general3A_50 {dimension_numbers = #tpu.dot_dimension_numbers<[1], [0], [0], [1], [0, 0, 1, 1], [], []>, transpose_lhs_hint = false} : vector<64x2xf32>, vector<2x16384xf32>, vector<64x16384xf32> -> vector<64x16384xf32>
    %tanh3A_52 = math.tanh %dot_general3A_51 : vector<64x16384xf32>
    %dot_general3A_53 = arith.constant dense<0.000000e+00> : vector<1x16384xf32>
    %dot_general3A_54 = tpu.matmul %get3A_7, %tanh3A_52, %dot_general3A_53 {dimension_numbers = #tpu.dot_dimension_numbers<[1], [0], [0], [1], [0, 0, 1, 1], [], []>, transpose_lhs_hint = false} : vector<1x64xf32>, vector<64x16384xf32>, vector<1x16384xf32> -> vector<1x16384xf32>
    %sub3A_55 = arith.subf %add3A_48, %dot_general3A_54 : vector<1x16384xf32>
    %sub3A_56 = vector.broadcast %get3A_10 : vector<1x1xf32> to vector<1x16384xf32>
    %sub3A_57 = arith.subf %sub3A_55, %sub3A_56 : vector<1x16384xf32>
    %mul3A_58 = arith.mulf %sub3A_57, %sub3A_57 : vector<1x16384xf32>
    %add3A_59 = arith.addf %add3A_43, %mul3A_58 : vector<1x16384xf32>
    %tanh3A_60 = math.tanh %add3A_48 : vector<1x16384xf32>
    %mul3A_61 = arith.constant 0.00999999977 : f32
    %mul3A_62 = vector.broadcast %mul3A_61 : f32 to vector<1x16384xf32>
    %mul3A_63 = arith.mulf %mul3A_62, %tanh3A_60 : vector<1x16384xf32>
    %add3A_64 = arith.addf %add3A_48, %mul3A_63 : vector<1x16384xf32>
    %concatenate3A_65 = tpu.concatenate %add3A_64, %broadcast_in_dim3A_11 in 0 : vector<1x16384xf32>, vector<1x16384xf32> -> vector<2x16384xf32>
    %dot_general3A_66 = arith.constant dense<0.000000e+00> : vector<64x16384xf32>
    %dot_general3A_67 = tpu.matmul %concatenate3A, %concatenate3A_65, %dot_general3A_66 {dimension_numbers = #tpu.dot_dimension_numbers<[1], [0], [0], [1], [0, 0, 1, 1], [], []>, transpose_lhs_hint = false} : vector<64x2xf32>, vector<2x16384xf32>, vector<64x16384xf32> -> vector<64x16384xf32>
    %tanh3A_68 = math.tanh %dot_general3A_67 : vector<64x16384xf32>
    %dot_general3A_69 = arith.constant dense<0.000000e+00> : vector<1x16384xf32>
    %dot_general3A_70 = tpu.matmul %get3A_7, %tanh3A_68, %dot_general3A_69 {dimension_numbers = #tpu.dot_dimension_numbers<[1], [0], [0], [1], [0, 0, 1, 1], [], []>, transpose_lhs_hint = false} : vector<1x64xf32>, vector<64x16384xf32>, vector<1x16384xf32> -> vector<1x16384xf32>
    %sub3A_71 = arith.subf %add3A_64, %dot_general3A_70 : vector<1x16384xf32>
    %sub3A_72 = vector.broadcast %get3A_10 : vector<1x1xf32> to vector<1x16384xf32>
    %sub3A_73 = arith.subf %sub3A_71, %sub3A_72 : vector<1x16384xf32>
    %mul3A_74 = arith.mulf %sub3A_73, %sub3A_73 : vector<1x16384xf32>
    %add3A_75 = arith.addf %add3A_59, %mul3A_74 : vector<1x16384xf32>
    %tanh3A_76 = math.tanh %add3A_64 : vector<1x16384xf32>
    %mul3A_77 = arith.constant 0.00999999977 : f32
    %mul3A_78 = vector.broadcast %mul3A_77 : f32 to vector<1x16384xf32>
    %mul3A_79 = arith.mulf %mul3A_78, %tanh3A_76 : vector<1x16384xf32>
    %add3A_80 = arith.addf %add3A_64, %mul3A_79 : vector<1x16384xf32>
    %concatenate3A_81 = tpu.concatenate %add3A_80, %broadcast_in_dim3A_11 in 0 : vector<1x16384xf32>, vector<1x16384xf32> -> vector<2x16384xf32>
    %dot_general3A_82 = arith.constant dense<0.000000e+00> : vector<64x16384xf32>
    %dot_general3A_83 = tpu.matmul %concatenate3A, %concatenate3A_81, %dot_general3A_82 {dimension_numbers = #tpu.dot_dimension_numbers<[1], [0], [0], [1], [0, 0, 1, 1], [], []>, transpose_lhs_hint = false} : vector<64x2xf32>, vector<2x16384xf32>, vector<64x16384xf32> -> vector<64x16384xf32>
    %tanh3A_84 = math.tanh %dot_general3A_83 : vector<64x16384xf32>
    %dot_general3A_85 = arith.constant dense<0.000000e+00> : vector<1x16384xf32>
    %dot_general3A_86 = tpu.matmul %get3A_7, %tanh3A_84, %dot_general3A_85 {dimension_numbers = #tpu.dot_dimension_numbers<[1], [0], [0], [1], [0, 0, 1, 1], [], []>, transpose_lhs_hint = false} : vector<1x64xf32>, vector<64x16384xf32>, vector<1x16384xf32> -> vector<1x16384xf32>
    %sub3A_87 = arith.subf %add3A_80, %dot_general3A_86 : vector<1x16384xf32>
    %sub3A_88 = vector.broadcast %get3A_10 : vector<1x1xf32> to vector<1x16384xf32>
    %sub3A_89 = arith.subf %sub3A_87, %sub3A_88 : vector<1x16384xf32>
    %mul3A_90 = arith.mulf %sub3A_89, %sub3A_89 : vector<1x16384xf32>
    %add3A_91 = arith.addf %add3A_75, %mul3A_90 : vector<1x16384xf32>
    %tanh3A_92 = math.tanh %add3A_80 : vector<1x16384xf32>
    %mul3A_93 = arith.constant 0.00999999977 : f32
    %mul3A_94 = vector.broadcast %mul3A_93 : f32 to vector<1x16384xf32>
    %mul3A_95 = arith.mulf %mul3A_94, %tanh3A_92 : vector<1x16384xf32>
    %add3A_96 = arith.addf %add3A_80, %mul3A_95 : vector<1x16384xf32>
    %concatenate3A_97 = tpu.concatenate %add3A_96, %broadcast_in_dim3A_11 in 0 : vector<1x16384xf32>, vector<1x16384xf32> -> vector<2x16384xf32>
    %dot_general3A_98 = arith.constant dense<0.000000e+00> : vector<64x16384xf32>
    %dot_general3A_99 = tpu.matmul %concatenate3A, %concatenate3A_97, %dot_general3A_98 {dimension_numbers = #tpu.dot_dimension_numbers<[1], [0], [0], [1], [0, 0, 1, 1], [], []>, transpose_lhs_hint = false} : vector<64x2xf32>, vector<2x16384xf32>, vector<64x16384xf32> -> vector<64x16384xf32>
    %tanh3A_100 = math.tanh %dot_general3A_99 : vector<64x16384xf32>
    %dot_general3A_101 = arith.constant dense<0.000000e+00> : vector<1x16384xf32>
    %dot_general3A_102 = tpu.matmul %get3A_7, %tanh3A_100, %dot_general3A_101 {dimension_numbers = #tpu.dot_dimension_numbers<[1], [0], [0], [1], [0, 0, 1, 1], [], []>, transpose_lhs_hint = false} : vector<1x64xf32>, vector<64x16384xf32>, vector<1x16384xf32> -> vector<1x16384xf32>
    %sub3A_103 = arith.subf %add3A_96, %dot_general3A_102 : vector<1x16384xf32>
    %sub3A_104 = vector.broadcast %get3A_10 : vector<1x1xf32> to vector<1x16384xf32>
    %sub3A_105 = arith.subf %sub3A_103, %sub3A_104 : vector<1x16384xf32>
    %mul3A_106 = arith.mulf %sub3A_105, %sub3A_105 : vector<1x16384xf32>
    %add3A_107 = arith.addf %add3A_91, %mul3A_106 : vector<1x16384xf32>
    %tanh3A_108 = math.tanh %add3A_96 : vector<1x16384xf32>
    %mul3A_109 = arith.constant 0.00999999977 : f32
    %mul3A_110 = vector.broadcast %mul3A_109 : f32 to vector<1x16384xf32>
    %mul3A_111 = arith.mulf %mul3A_110, %tanh3A_108 : vector<1x16384xf32>
    %add3A_112 = arith.addf %add3A_96, %mul3A_111 : vector<1x16384xf32>
    %concatenate3A_113 = tpu.concatenate %add3A_112, %broadcast_in_dim3A_11 in 0 : vector<1x16384xf32>, vector<1x16384xf32> -> vector<2x16384xf32>
    %dot_general3A_114 = arith.constant dense<0.000000e+00> : vector<64x16384xf32>
    %dot_general3A_115 = tpu.matmul %concatenate3A, %concatenate3A_113, %dot_general3A_114 {dimension_numbers = #tpu.dot_dimension_numbers<[1], [0], [0], [1], [0, 0, 1, 1], [], []>, transpose_lhs_hint = false} : vector<64x2xf32>, vector<2x16384xf32>, vector<64x16384xf32> -> vector<64x16384xf32>
    %tanh3A_116 = math.tanh %dot_general3A_115 : vector<64x16384xf32>
    %dot_general3A_117 = arith.constant dense<0.000000e+00> : vector<1x16384xf32>
    %dot_general3A_118 = tpu.matmul %get3A_7, %tanh3A_116, %dot_general3A_117 {dimension_numbers = #tpu.dot_dimension_numbers<[1], [0], [0], [1], [0, 0, 1, 1], [], []>, transpose_lhs_hint = false} : vector<1x64xf32>, vector<64x16384xf32>, vector<1x16384xf32> -> vector<1x16384xf32>
    %sub3A_119 = arith.subf %add3A_112, %dot_general3A_118 : vector<1x16384xf32>
    %sub3A_120 = vector.broadcast %get3A_10 : vector<1x1xf32> to vector<1x16384xf32>
    %sub3A_121 = arith.subf %sub3A_119, %sub3A_120 : vector<1x16384xf32>
    %mul3A_122 = arith.mulf %sub3A_121, %sub3A_121 : vector<1x16384xf32>
    %add3A_123 = arith.addf %add3A_107, %mul3A_122 : vector<1x16384xf32>
    %tanh3A_124 = math.tanh %add3A_112 : vector<1x16384xf32>
    %mul3A_125 = arith.constant 0.00999999977 : f32
    %mul3A_126 = vector.broadcast %mul3A_125 : f32 to vector<1x16384xf32>
    %mul3A_127 = arith.mulf %mul3A_126, %tanh3A_124 : vector<1x16384xf32>
    %add3A_128 = arith.addf %add3A_112, %mul3A_127 : vector<1x16384xf32>
    %concatenate3A_129 = tpu.concatenate %add3A_128, %broadcast_in_dim3A_11 in 0 : vector<1x16384xf32>, vector<1x16384xf32> -> vector<2x16384xf32>
    %dot_general3A_130 = arith.constant dense<0.000000e+00> : vector<64x16384xf32>
    %dot_general3A_131 = tpu.matmul %concatenate3A, %concatenate3A_129, %dot_general3A_130 {dimension_numbers = #tpu.dot_dimension_numbers<[1], [0], [0], [1], [0, 0, 1, 1], [], []>, transpose_lhs_hint = false} : vector<64x2xf32>, vector<2x16384xf32>, vector<64x16384xf32> -> vector<64x16384xf32>
    %tanh3A_132 = math.tanh %dot_general3A_131 : vector<64x16384xf32>
    %dot_general3A_133 = arith.constant dense<0.000000e+00> : vector<1x16384xf32>
    %dot_general3A_134 = tpu.matmul %get3A_7, %tanh3A_132, %dot_general3A_133 {dimension_numbers = #tpu.dot_dimension_numbers<[1], [0], [0], [1], [0, 0, 1, 1], [], []>, transpose_lhs_hint = false} : vector<1x64xf32>, vector<64x16384xf32>, vector<1x16384xf32> -> vector<1x16384xf32>
    %sub3A_135 = arith.subf %add3A_128, %dot_general3A_134 : vector<1x16384xf32>
    %sub3A_136 = vector.broadcast %get3A_10 : vector<1x1xf32> to vector<1x16384xf32>
    %sub3A_137 = arith.subf %sub3A_135, %sub3A_136 : vector<1x16384xf32>
    %mul3A_138 = arith.mulf %sub3A_137, %sub3A_137 : vector<1x16384xf32>
    %add3A_139 = arith.addf %add3A_123, %mul3A_138 : vector<1x16384xf32>
    %tanh3A_140 = math.tanh %add3A_128 : vector<1x16384xf32>
    %mul3A_141 = arith.constant 0.00999999977 : f32
    %mul3A_142 = vector.broadcast %mul3A_141 : f32 to vector<1x16384xf32>
    %mul3A_143 = arith.mulf %mul3A_142, %tanh3A_140 : vector<1x16384xf32>
    %add3A_144 = arith.addf %add3A_128, %mul3A_143 : vector<1x16384xf32>
    %concatenate3A_145 = tpu.concatenate %add3A_144, %broadcast_in_dim3A_11 in 0 : vector<1x16384xf32>, vector<1x16384xf32> -> vector<2x16384xf32>
    %dot_general3A_146 = arith.constant dense<0.000000e+00> : vector<64x16384xf32>
    %dot_general3A_147 = tpu.matmul %concatenate3A, %concatenate3A_145, %dot_general3A_146 {dimension_numbers = #tpu.dot_dimension_numbers<[1], [0], [0], [1], [0, 0, 1, 1], [], []>, transpose_lhs_hint = false} : vector<64x2xf32>, vector<2x16384xf32>, vector<64x16384xf32> -> vector<64x16384xf32>
    %tanh3A_148 = math.tanh %dot_general3A_147 : vector<64x16384xf32>
    %dot_general3A_149 = arith.constant dense<0.000000e+00> : vector<1x16384xf32>
    %dot_general3A_150 = tpu.matmul %get3A_7, %tanh3A_148, %dot_general3A_149 {dimension_numbers = #tpu.dot_dimension_numbers<[1], [0], [0], [1], [0, 0, 1, 1], [], []>, transpose_lhs_hint = false} : vector<1x64xf32>, vector<64x16384xf32>, vector<1x16384xf32> -> vector<1x16384xf32>
    %sub3A_151 = arith.subf %add3A_144, %dot_general3A_150 : vector<1x16384xf32>
    %sub3A_152 = vector.broadcast %get3A_10 : vector<1x1xf32> to vector<1x16384xf32>
    %sub3A_153 = arith.subf %sub3A_151, %sub3A_152 : vector<1x16384xf32>
    %mul3A_154 = arith.mulf %sub3A_153, %sub3A_153 : vector<1x16384xf32>
    %add3A_155 = arith.addf %add3A_139, %mul3A_154 : vector<1x16384xf32>
    %tanh3A_156 = math.tanh %add3A_144 : vector<1x16384xf32>
    %mul3A_157 = arith.constant 0.00999999977 : f32
    %mul3A_158 = vector.broadcast %mul3A_157 : f32 to vector<1x16384xf32>
    %mul3A_159 = arith.mulf %mul3A_158, %tanh3A_156 : vector<1x16384xf32>
    %add3A_160 = arith.addf %add3A_144, %mul3A_159 : vector<1x16384xf32>
    %concatenate3A_161 = tpu.concatenate %add3A_160, %broadcast_in_dim3A_11 in 0 : vector<1x16384xf32>, vector<1x16384xf32> -> vector<2x16384xf32>
    %dot_general3A_162 = arith.constant dense<0.000000e+00> : vector<64x16384xf32>
    %dot_general3A_163 = tpu.matmul %concatenate3A, %concatenate3A_161, %dot_general3A_162 {dimension_numbers = #tpu.dot_dimension_numbers<[1], [0], [0], [1], [0, 0, 1, 1], [], []>, transpose_lhs_hint = false} : vector<64x2xf32>, vector<2x16384xf32>, vector<64x16384xf32> -> vector<64x16384xf32>
    %tanh3A_164 = math.tanh %dot_general3A_163 : vector<64x16384xf32>
    %dot_general3A_165 = arith.constant dense<0.000000e+00> : vector<1x16384xf32>
    %dot_general3A_166 = tpu.matmul %get3A_7, %tanh3A_164, %dot_general3A_165 {dimension_numbers = #tpu.dot_dimension_numbers<[1], [0], [0], [1], [0, 0, 1, 1], [], []>, transpose_lhs_hint = false} : vector<1x64xf32>, vector<64x16384xf32>, vector<1x16384xf32> -> vector<1x16384xf32>
    %sub3A_167 = arith.subf %add3A_160, %dot_general3A_166 : vector<1x16384xf32>
    %sub3A_168 = vector.broadcast %get3A_10 : vector<1x1xf32> to vector<1x16384xf32>
    %sub3A_169 = arith.subf %sub3A_167, %sub3A_168 : vector<1x16384xf32>
    %mul3A_170 = arith.mulf %sub3A_169, %sub3A_169 : vector<1x16384xf32>
    %add3A_171 = arith.addf %add3A_155, %mul3A_170 : vector<1x16384xf32>
    %tanh3A_172 = math.tanh %add3A_160 : vector<1x16384xf32>
    %mul3A_173 = arith.constant 0.00999999977 : f32
    %mul3A_174 = vector.broadcast %mul3A_173 : f32 to vector<1x16384xf32>
    %mul3A_175 = arith.mulf %mul3A_174, %tanh3A_172 : vector<1x16384xf32>
    %add3A_176 = arith.addf %add3A_160, %mul3A_175 : vector<1x16384xf32>
    %concatenate3A_177 = tpu.concatenate %add3A_176, %broadcast_in_dim3A_11 in 0 : vector<1x16384xf32>, vector<1x16384xf32> -> vector<2x16384xf32>
    %dot_general3A_178 = arith.constant dense<0.000000e+00> : vector<64x16384xf32>
    %dot_general3A_179 = tpu.matmul %concatenate3A, %concatenate3A_177, %dot_general3A_178 {dimension_numbers = #tpu.dot_dimension_numbers<[1], [0], [0], [1], [0, 0, 1, 1], [], []>, transpose_lhs_hint = false} : vector<64x2xf32>, vector<2x16384xf32>, vector<64x16384xf32> -> vector<64x16384xf32>
    %tanh3A_180 = math.tanh %dot_general3A_179 : vector<64x16384xf32>
    %dot_general3A_181 = arith.constant dense<0.000000e+00> : vector<1x16384xf32>
    %dot_general3A_182 = tpu.matmul %get3A_7, %tanh3A_180, %dot_general3A_181 {dimension_numbers = #tpu.dot_dimension_numbers<[1], [0], [0], [1], [0, 0, 1, 1], [], []>, transpose_lhs_hint = false} : vector<1x64xf32>, vector<64x16384xf32>, vector<1x16384xf32> -> vector<1x16384xf32>
    %sub3A_183 = arith.subf %add3A_176, %dot_general3A_182 : vector<1x16384xf32>
    %sub3A_184 = vector.broadcast %get3A_10 : vector<1x1xf32> to vector<1x16384xf32>
    %sub3A_185 = arith.subf %sub3A_183, %sub3A_184 : vector<1x16384xf32>
    %mul3A_186 = arith.mulf %sub3A_185, %sub3A_185 : vector<1x16384xf32>
    %add3A_187 = arith.addf %add3A_171, %mul3A_186 : vector<1x16384xf32>
    %tanh3A_188 = math.tanh %add3A_176 : vector<1x16384xf32>
    %mul3A_189 = arith.constant 0.00999999977 : f32
    %mul3A_190 = vector.broadcast %mul3A_189 : f32 to vector<1x16384xf32>
    %mul3A_191 = arith.mulf %mul3A_190, %tanh3A_188 : vector<1x16384xf32>
    %add3A_192 = arith.addf %add3A_176, %mul3A_191 : vector<1x16384xf32>
    %concatenate3A_193 = tpu.concatenate %add3A_192, %broadcast_in_dim3A_11 in 0 : vector<1x16384xf32>, vector<1x16384xf32> -> vector<2x16384xf32>
    %dot_general3A_194 = arith.constant dense<0.000000e+00> : vector<64x16384xf32>
    %dot_general3A_195 = tpu.matmul %concatenate3A, %concatenate3A_193, %dot_general3A_194 {dimension_numbers = #tpu.dot_dimension_numbers<[1], [0], [0], [1], [0, 0, 1, 1], [], []>, transpose_lhs_hint = false} : vector<64x2xf32>, vector<2x16384xf32>, vector<64x16384xf32> -> vector<64x16384xf32>
    %tanh3A_196 = math.tanh %dot_general3A_195 : vector<64x16384xf32>
    %dot_general3A_197 = arith.constant dense<0.000000e+00> : vector<1x16384xf32>
    %dot_general3A_198 = tpu.matmul %get3A_7, %tanh3A_196, %dot_general3A_197 {dimension_numbers = #tpu.dot_dimension_numbers<[1], [0], [0], [1], [0, 0, 1, 1], [], []>, transpose_lhs_hint = false} : vector<1x64xf32>, vector<64x16384xf32>, vector<1x16384xf32> -> vector<1x16384xf32>
    %sub3A_199 = arith.subf %add3A_192, %dot_general3A_198 : vector<1x16384xf32>
    %sub3A_200 = vector.broadcast %get3A_10 : vector<1x1xf32> to vector<1x16384xf32>
    %sub3A_201 = arith.subf %sub3A_199, %sub3A_200 : vector<1x16384xf32>
    %mul3A_202 = arith.mulf %sub3A_201, %sub3A_201 : vector<1x16384xf32>
    %add3A_203 = arith.addf %add3A_187, %mul3A_202 : vector<1x16384xf32>
    %tanh3A_204 = math.tanh %add3A_192 : vector<1x16384xf32>
    %mul3A_205 = arith.constant 0.00999999977 : f32
    %mul3A_206 = vector.broadcast %mul3A_205 : f32 to vector<1x16384xf32>
    %mul3A_207 = arith.mulf %mul3A_206, %tanh3A_204 : vector<1x16384xf32>
    %add3A_208 = arith.addf %add3A_192, %mul3A_207 : vector<1x16384xf32>
    %concatenate3A_209 = tpu.concatenate %add3A_208, %broadcast_in_dim3A_11 in 0 : vector<1x16384xf32>, vector<1x16384xf32> -> vector<2x16384xf32>
    %dot_general3A_210 = arith.constant dense<0.000000e+00> : vector<64x16384xf32>
    %dot_general3A_211 = tpu.matmul %concatenate3A, %concatenate3A_209, %dot_general3A_210 {dimension_numbers = #tpu.dot_dimension_numbers<[1], [0], [0], [1], [0, 0, 1, 1], [], []>, transpose_lhs_hint = false} : vector<64x2xf32>, vector<2x16384xf32>, vector<64x16384xf32> -> vector<64x16384xf32>
    %tanh3A_212 = math.tanh %dot_general3A_211 : vector<64x16384xf32>
    %dot_general3A_213 = arith.constant dense<0.000000e+00> : vector<1x16384xf32>
    %dot_general3A_214 = tpu.matmul %get3A_7, %tanh3A_212, %dot_general3A_213 {dimension_numbers = #tpu.dot_dimension_numbers<[1], [0], [0], [1], [0, 0, 1, 1], [], []>, transpose_lhs_hint = false} : vector<1x64xf32>, vector<64x16384xf32>, vector<1x16384xf32> -> vector<1x16384xf32>
    %sub3A_215 = arith.subf %add3A_208, %dot_general3A_214 : vector<1x16384xf32>
    %sub3A_216 = vector.broadcast %get3A_10 : vector<1x1xf32> to vector<1x16384xf32>
    %sub3A_217 = arith.subf %sub3A_215, %sub3A_216 : vector<1x16384xf32>
    %mul3A_218 = arith.mulf %sub3A_217, %sub3A_217 : vector<1x16384xf32>
    %add3A_219 = arith.addf %add3A_203, %mul3A_218 : vector<1x16384xf32>
    %tanh3A_220 = math.tanh %add3A_208 : vector<1x16384xf32>
    %mul3A_221 = arith.constant 0.00999999977 : f32
    %mul3A_222 = vector.broadcast %mul3A_221 : f32 to vector<1x16384xf32>
    %mul3A_223 = arith.mulf %mul3A_222, %tanh3A_220 : vector<1x16384xf32>
    %add3A_224 = arith.addf %add3A_208, %mul3A_223 : vector<1x16384xf32>
    %concatenate3A_225 = tpu.concatenate %add3A_224, %broadcast_in_dim3A_11 in 0 : vector<1x16384xf32>, vector<1x16384xf32> -> vector<2x16384xf32>
    %dot_general3A_226 = arith.constant dense<0.000000e+00> : vector<64x16384xf32>
    %dot_general3A_227 = tpu.matmul %concatenate3A, %concatenate3A_225, %dot_general3A_226 {dimension_numbers = #tpu.dot_dimension_numbers<[1], [0], [0], [1], [0, 0, 1, 1], [], []>, transpose_lhs_hint = false} : vector<64x2xf32>, vector<2x16384xf32>, vector<64x16384xf32> -> vector<64x16384xf32>
    %tanh3A_228 = math.tanh %dot_general3A_227 : vector<64x16384xf32>
    %dot_general3A_229 = arith.constant dense<0.000000e+00> : vector<1x16384xf32>
    %dot_general3A_230 = tpu.matmul %get3A_7, %tanh3A_228, %dot_general3A_229 {dimension_numbers = #tpu.dot_dimension_numbers<[1], [0], [0], [1], [0, 0, 1, 1], [], []>, transpose_lhs_hint = false} : vector<1x64xf32>, vector<64x16384xf32>, vector<1x16384xf32> -> vector<1x16384xf32>
    %sub3A_231 = arith.subf %add3A_224, %dot_general3A_230 : vector<1x16384xf32>
    %sub3A_232 = vector.broadcast %get3A_10 : vector<1x1xf32> to vector<1x16384xf32>
    %sub3A_233 = arith.subf %sub3A_231, %sub3A_232 : vector<1x16384xf32>
    %mul3A_234 = arith.mulf %sub3A_233, %sub3A_233 : vector<1x16384xf32>
    %add3A_235 = arith.addf %add3A_219, %mul3A_234 : vector<1x16384xf32>
    %tanh3A_236 = math.tanh %add3A_224 : vector<1x16384xf32>
    %mul3A_237 = arith.constant 0.00999999977 : f32
    %mul3A_238 = vector.broadcast %mul3A_237 : f32 to vector<1x16384xf32>
    %mul3A_239 = arith.mulf %mul3A_238, %tanh3A_236 : vector<1x16384xf32>
    %add3A_240 = arith.addf %add3A_224, %mul3A_239 : vector<1x16384xf32>
    %concatenate3A_241 = tpu.concatenate %add3A_240, %broadcast_in_dim3A_11 in 0 : vector<1x16384xf32>, vector<1x16384xf32> -> vector<2x16384xf32>
    %dot_general3A_242 = arith.constant dense<0.000000e+00> : vector<64x16384xf32>
    %dot_general3A_243 = tpu.matmul %concatenate3A, %concatenate3A_241, %dot_general3A_242 {dimension_numbers = #tpu.dot_dimension_numbers<[1], [0], [0], [1], [0, 0, 1, 1], [], []>, transpose_lhs_hint = false} : vector<64x2xf32>, vector<2x16384xf32>, vector<64x16384xf32> -> vector<64x16384xf32>
    %tanh3A_244 = math.tanh %dot_general3A_243 : vector<64x16384xf32>
    %dot_general3A_245 = arith.constant dense<0.000000e+00> : vector<1x16384xf32>
    %dot_general3A_246 = tpu.matmul %get3A_7, %tanh3A_244, %dot_general3A_245 {dimension_numbers = #tpu.dot_dimension_numbers<[1], [0], [0], [1], [0, 0, 1, 1], [], []>, transpose_lhs_hint = false} : vector<1x64xf32>, vector<64x16384xf32>, vector<1x16384xf32> -> vector<1x16384xf32>
    %sub3A_247 = arith.subf %add3A_240, %dot_general3A_246 : vector<1x16384xf32>
    %sub3A_248 = vector.broadcast %get3A_10 : vector<1x1xf32> to vector<1x16384xf32>
    %sub3A_249 = arith.subf %sub3A_247, %sub3A_248 : vector<1x16384xf32>
    %mul3A_250 = arith.mulf %sub3A_249, %sub3A_249 : vector<1x16384xf32>
    %add3A_251 = arith.addf %add3A_235, %mul3A_250 : vector<1x16384xf32>
    %reduce_sum3A = vector.shape_cast %add3A_251 : vector<1x16384xf32> to vector<1x1x16384xf32>
    %reduce_sum3A_252 = arith.constant dense<0.000000e+00> : vector<1xf32>
    %reduce_sum3A_253 = vector.multi_reduction <add>, %reduce_sum3A, %reduce_sum3A_252 [1, 2] : vector<1x1x16384xf32> to vector<1xf32>
    %reduce_sum3A_254 = vector.shape_cast %reduce_sum3A_253 : vector<1xf32> to vector<1x1x1xf32>
    %reduce_sum3A_255 = vector.extract %reduce_sum3A_254[0, 0, 0] : f32 from vector<1x1x1xf32>
    %reshape3A = vector.broadcast %reduce_sum3A_255 : f32 to vector<1x1xf32>
    %div3A = arith.constant 2.457600e+05 : f32
    %div3A_256 = vector.broadcast %div3A : f32 to vector<1x1xf32>
    %div3A_257 = arith.divf %reshape3A, %div3A_256 : vector<1x1xf32>
    %swap3A = arith.constant 0 : index
    %swap3A_258 = arith.constant 0 : index
    %swap3A_259 = vector.load %arg5[%swap3A, %swap3A_258] : memref<1x1xf32, #tpu.memory_space<vmem>>, vector<1x1xf32>
    tpu.vector_store %arg5[%swap3A, %swap3A_258], %div3A_257 {strides = array<i32>} : memref<1x1xf32, #tpu.memory_space<vmem>>, vector<1x1xf32>,
    return
  }
}

</mosaic_0001>

<sc_bundles>
// kernel: kernel.4.cloned.1.call-start
scs
__scs_entry_jumppad:
0x0: {  	(pc) =	sbr.rel $0x88, $3  }
0x1: {  	(tag) =	ssettag $0x0;
	lr =	simm.s32 $0x1  }
0x2: {  	[smem:$0x3F9B] =	sst lr;
	_ =	strace $0xD0000000  }
0x3: {  	_ = 	snop  }
0x4: {  	_ = 	snop  }
0x5: {  	_ = 	snop  }
0x6: {  	_ = 	snop  }
0x7: {  	_ = 	snop  }
__scs_overlays_trampoline_lowered:
0x8: {  	[smem:$0x3FAA] =	sst s0  }
0x9: {  	[smem:$0x3FAB] =	sst s1  }
0xa: {  	[smem:$0x3FAC] =	sst s2  }
0xb: {  	[smem:$0x3FAD] =	sst s3  }
0xc: {  	[smem:$0x3FAE] =	sst s4  }
0xd: {  	[smem:$0x3FAF] =	sst s5  }
0xe: {  	[smem:$0x3FB0] =	sst s6  }
0xf: {  	[smem:$0x3FB1] =	sst s7  }
0x10: {  	[smem:$0x3FB2] =	sst s8  }
0x11: {  	[smem:$0x3FB3] =	sst s9;
	s0 =	simm.s32 @!p0 $0x0  }
0x12: {  	s1 =	sld [smem:$0x3F99];
	s0 =	simm.s32 @p0 $0x1  }
0x13: {  	[smem:$0x3FB4] =	sst s0;
	s0 =	simm.s32 @!p1 $0x0  }
0x14: {  	s2 =	sld [smem:$0x3F98];
	s0 =	simm.s32 @p1 $0x1  }
0x15: {  	[smem:$0x3FB5] =	sst s0;
	s0 =	simm.s32 @!p2 $0x0  }
0x16: {  	s3 =	sld [smem:$0x3FDB];
	s0 =	simm.s32 @p2 $0x1  }
0x17: {  	s4 =	simm.s32 $0x1BF5;
	[smem:$0x3FB7] =	sst s0  }
0x18: {  	s0 =	sld [smem:$0x3F9A];
	_ =	swait.ge [sflag:s4], $0x0  }
0x19: {  	s7 =	sld [smem:$0x3F9B]  }
0x1a: {  	s8 =	sadd.s32 $0xFFFFE003, lr  }
0x1b: {  	s9 =	sadd.s32 $0xFFFFFEF7, lr;
	s5 =	simm.s32 $0xFFFFFFFF;
	p2 =	slt.u32 s8, $0xFFFFF086  }
0x1c: {  	p1 =	slt.u32 s9, $0xF7A;
	s5 =	simm.s32 @!p2 $0x0  }
0x1d: {  	s5 =	simm.s32 @p1 $0x1;
	p0 =	seq.s32 s7, s2  }
0x1e: {  	s7 =	smul.u32 @!p0 $0xF7A, s2;
	p2 =	seq.s32 @!p0 s5, $0x0  }
0x1f: {  	s9 =	smul.u32 $0xF7A, s1;
	s8 =	simm.s32 @!p0 $0x1BF5;
	p2 =	por !p2, p0  }
0x20: {  	[sflag:s8] =	ssyncset.s32 @!p0 $0xFFFFF086;
	s6 =	sadd.s32 @!p0 s3, s7;
	s7 =	simm.s32 @!p0 $0x108  }
0x21: {  	s3 =	sadd.s32 s3, s9;
	s6 =	sadd.s32 @!p0 $0x88, s6;
	s7 =	simm.s32 @p2 $0x1082  }
0x22: {  	[simem:s7], [sflag:s8] =	dma.local @!p0 [hbm:s6], $0xF7A  }
0x23: {  	s9 =	sor.u32 $0xD0000000, s2;
	s6 =	simm.s32 $0x108;
	_ =	swait.ge @!p0 [sflag:s8], $0x0  }
0x24: {  	s3 =	sadd.s32 $0x88, s3;
	s6 =	simm.s32 @!p1 $0x1082;
	[sflag:s4] =	ssyncset.s32 $0xFFFFF086  }
0x25: {  	[simem:s6], [sflag:s4] =	dma.local [hbm:s3], $0xF7A  }
0x26: {  	[smem:$0x3F9B] =	sst s1;
	(tag) =	ssettag s2;
	_ =	strace s9  }
0x27: {  	s1 =	sld [smem:$0x3FAB]  }
0x28: {  	s2 =	sld [smem:$0x3FAC]  }
0x29: {  	s4 =	sld [smem:$0x3FAE]  }
0x2a: {  	p0 =	seq.s32 s5, $0x0;
	s5 =	sld [smem:$0x3FAF]  }
0x2b: {  	s6 =	sld [smem:$0x3FB0]  }
0x2c: {  	s7 =	sld [smem:$0x3FB1]  }
0x2d: {  	s3 =	simm.s32 $0x108;
	s8 =	sld [smem:$0x3FB2]  }
0x2e: {  	s3 =	simm.s32 @!p0 $0x1082;
	s9 =	sld [smem:$0x3FB3]  }
0x2f: {  	lr =	sadd.s32 s0, s3;
	s0 =	sld [smem:$0x3FAA]  }
0x30: {  	s3 =	sld [smem:$0x3FAD]  }
0x31: {  	[smem:$0x3FB6] =	sst s10  }
0x32: {  	s10 =	sld [smem:$0x3FB4];
	_ =	sdelay $0x3  }
0x33: {  	p0 =	seq.s32 s10, $0x1;
	s10 =	sld [smem:$0x3FB6];
	_ =	sdelay $0x3  }
0x34: {  	[smem:$0x3FB6] =	sst s10  }
0x35: {  	s10 =	sld [smem:$0x3FB5];
	_ =	sdelay $0x3  }
0x36: {  	p1 =	seq.s32 s10, $0x1;
	s10 =	sld [smem:$0x3FB6];
	_ =	sdelay $0x3  }
0x37: {  	[smem:$0x3FB6] =	sst s10  }
0x38: {  	s10 =	sld [smem:$0x3FB7]  }
0x39: {  	_ = 	snop;
	(pc) =	sbr.ind lr, $3  }
0x3a: {  	_ = 	snop  }
0x3b: {  	_ = 	snop  }
0x3c: {  	p2 =	seq.s32 s10, $0x1;
	s10 =	sld [smem:$0x3FB6]  }
0x3d: {  	_ =	shalt  }
0x3e: {  	_ =	shalt  }
0x3f: {  	_ =	shalt  }
0x40: {  	_ =	shalt  }
0x41: {  	_ =	shalt  }
0x42: {  	_ =	shalt  }
0x43: {  	_ =	shalt  }
0x44: {  	_ =	shalt  }
0x45: {  	_ =	shalt  }
0x46: {  	_ =	shalt  }
0x47: {  	_ =	shalt  }
0x48: {  	_ =	shalt  }
0x49: {  	_ =	shalt  }
0x4a: {  	_ =	shalt  }
0x4b: {  	_ =	shalt  }
0x4c: {  	_ =	shalt  }
0x4d: {  	_ =	shalt  }
0x4e: {  	_ =	shalt  }
0x4f: {  	_ =	shalt  }
0x50: {  	_ =	shalt  }
0x51: {  	_ =	shalt  }
0x52: {  	_ =	shalt  }
0x53: {  	_ =	shalt  }
0x54: {  	_ =	shalt  }
0x55: {  	_ =	shalt  }
0x56: {  	_ =	shalt  }
0x57: {  	_ =	shalt  }
0x58: {  	_ =	shalt  }
0x59: {  	_ =	shalt  }
0x5a: {  	_ =	shalt  }
0x5b: {  	_ =	shalt  }
0x5c: {  	_ =	shalt  }
0x5d: {  	_ =	shalt  }
0x5e: {  	_ =	shalt  }
0x5f: {  	_ =	shalt  }
0x60: {  	_ =	shalt  }
0x61: {  	_ =	shalt  }
0x62: {  	_ =	shalt  }
0x63: {  	_ =	shalt  }
0x64: {  	_ =	shalt  }
0x65: {  	_ =	shalt  }
0x66: {  	_ =	shalt  }
0x67: {  	_ =	shalt  }
0x68: {  	_ =	shalt  }
0x69: {  	_ =	shalt  }
0x6a: {  	_ =	shalt  }
0x6b: {  	_ =	shalt  }
0x6c: {  	_ =	shalt  }
0x6d: {  	_ =	shalt  }
0x6e: {  	_ =	shalt  }
0x6f: {  	_ =	shalt  }
0x70: {  	_ =	shalt  }
0x71: {  	_ =	shalt  }
0x72: {  	_ =	shalt  }
0x73: {  	_ =	shalt  }
0x74: {  	_ =	shalt  }
0x75: {  	_ =	shalt  }
0x76: {  	_ =	shalt  }
0x77: {  	_ =	shalt  }
0x78: {  	_ =	shalt  }
0x79: {  	_ =	shalt  }
0x7a: {  	_ =	shalt  }
0x7b: {  	_ =	shalt  }
0x7c: {  	_ =	shalt  }
0x7d: {  	_ =	shalt  }
0x7e: {  	_ =	shalt  }
0x7f: {  	_ =	shalt  }
0x80: {  	_ =	shalt  }
0x81: {  	_ =	shalt  }
0x82: {  	_ =	shalt  }
0x83: {  	_ =	shalt  }
0x84: {  	_ =	shalt  }
0x85: {  	_ =	shalt  }
0x86: {  	_ =	shalt  }
0x87: {  	_ =	shalt  }
.Lfunc_end0:
.L_simem_size_0:
called_computation_lowered:
.L_overlay_start_0:
0x88: {  	s2 =	sld [smem:$0x3FD9]  }
0x89: {  	s3 =	sld [smem:$0x3FFE];
	_ =	sdelay $0x1  }
0x8a: {  	s1 =	srdreg.scid  }
0x8b: {  	s0 =	sand.u32 $0x1, s1  }
0x8c: {  	s16 =	sshll.u32 s0, $0xA;
	s2 =	sadd.s32 s3, s2  }
0x8d: {  	s2 =	sadd.s32 s2, s16  }
0x8e: {  	[smem:$0x3FC2] =	sst s2  }
0x8f: {  	_ = 	snop  }
0x90: {  	(tm) =	ssettm $0x1  }
0x91: {  	s17 =	sld [smem:$0x3FFB];
	_ =	sdelay $0x3  }
0x92: {  	_ =	strace s17  }
0x93: {  	s2 =	sld [smem:$0x3FFC];
	_ =	sdelay $0x3  }
0x94: {  	_ =	strace s2  }
0x95: {  	s2 =	sld [smem:$0x3FFD];
	_ =	sdelay $0x3  }
0x96: {  	_ =	strace s2  }
0x97: {  	_ =	strace $0x8FFFFFFF  }
0x98: {  	s18 =	sld [smem:$0x3FDB];
	_ =	sdelay $0x1  }
0x99: {  	s19 =	simm.s32 $_scs_section_size  }
0x9a: {  	s4 =	simm.s32 $_size__tile_overlayer_lowered;
	s5 =	simm.s32 $_tile_overlayer_lowered  }
0x9b: {  	s22 =	simm.s32 $0x1BFF;
	s21 =	sshll.u32 s5, $0x1;
	s2 =	sadd.s32 s19, s18  }
0x9c: {  	s6 =	simm.s32 $0x0;
	s20 =	sshll.u32 s4, $0x1;
	s4 =	sadd.s32 s21, s2  }
0x9d: {  	[timem:s6], [sflag:s22] =	dma.local [hbm:s4], s20  }
0x9e: {  	_ =	swait.ge [sflag:s22], s20  }
0x9f: {  	s3 =	ssub.s32 $0x0, s20;
	[sflag:s22] =	ssyncset.done $0x0  }
0xa0: {  	[sflag:s22] =	ssyncadd.s32 s3;
	_ =	sdelay $0x1  }
0xa1: {  	s23 =	simm.s32 $0x1B8B  }
0xa2: {  	_ =	swait.ge [sflag:s23], $0x1  }
0xa3: {  	[sflag:s23] =	ssyncset.done $0x0  }
0xa4: {  	s25 =	simm.s32 $0x1B8E;
	s24 =	sld [smem:$0x3FFE];
	[sflag:s23] =	ssyncadd.s32 $0xFFFFFFFF  }
0xa5: {  	s26 =	simm.s32 $execute0_lowered;
	[smem:$0x3FD2] =	sst s25  }
0xa6: {  	s4 =	sshll.u32 s26, $0x1;
	_ =	strace $0x80000046;
	[dreg:$0x1] =	wrdreg $0xFFFFFFFF  }
0xa7: {  	s28 =	simm.s32 $_size_execute0_lowered;
	s2 =	sadd.s32 s2, s4;
	[dreg:$0x0] =	wrdreg $0x0  }
0xa8: {  	s4 =	sshll.u32 s28, $0x1;
	[dreg:$0x2] =	wrdreg s2  }
0xa9: {  	[dreg:$0x3] =	wrdreg s4  }
0xaa: {  	[dreg:$0x4] =	wrdreg $0xC0  }
0xab: {  	_ =	task [dreg:s6], $0x5FFFF  }
0xac: {  	[dreg:$0x1] =	wrdreg $0xFFFFFFFF  }
0xad: {  	[dreg:$0x0] =	wrdreg $0x60  }
0xae: {  	[dreg:$0x2] =	wrdreg s24  }
0xaf: {  	[dreg:$0x3] =	wrdreg $0x9  }
0xb0: {  	_ =	task.clear_ibuf [dreg:s6], $0x4FFFF;
	_ =	strace $0x90000046  }
0xb1: {  	s29 =	simm.s32 $0x9;
	_ =	strace $0x80000048  }
0xb2: {  	_ =	swait.ge [sflag:s29], $0x1  }
0xb3: {  	[sflag:s29] =	ssyncadd.s32 $0xFFFFFFFF  }
0xb4: {  	_ =	strace $0x90000048  }
0xb5: {  	_ =	sfence  }
0xb6: {  	s30 =	sld [smem:$0x0];
	_ =	sdelay $0x2  }
0xb7: {  	s31 =	sshll.u32 s1, $0xD;
	s1 =	sshrl.u32 s1, $0x2  }
0xb8: {  	s3 =	sand.u32 $0x4000, s31;
	s1 =	sadd.s32 s1, s30  }
0xb9: {  	s0 =	sor.u32 s3, s0;
	s1 =	sshll.u32 s1, $0x11  }
0xba: {  	s0 =	sor.u32 s1, s0  }
0xbb: {  	s0 =	sadd.s32 $0x8F2B, s0  }
0xbc: {  	[sflag:s0] =	ssyncadd.remote.s32 $0x1  }
0xbd: {  	_ =	sfence.sel $0xFFFF  }
0xbe: {  	[dreg:$0x0] =	wrdreg $0xFFFFFFFF;
	(pc) =	sbr.abs _section_cstart, $3  }
0xbf: {  	[dreg:$0x1] =	wrdreg $0xFFFFFFFF  }
0xc0: {  	_ =	task.clear_ibuf [dreg:s6], $0x2FFFF;
	_ =	strace $0x9FFFFFFF  }
0xc1: {  	(tm) =	ssettm $0x7FFFFFFF  }
tec
execute0_lowered:
.L_overlay_start_1:
0x0: {  	(tag) =	ssettag $0x1  }
0x1: {  	s3 =	rddreg [dreg:$0x0];
	s2 =	srdreg.scid  }
0x2: {  	s0 =	rddreg [dreg:$0x1];
	s1 =	stileid.u32;
	s8 =	simm.s32 $0x2  }
0x3: {  	s9 =	simm.s32 $0x200;
	s10 =	simm.s32 $0x80;
	s11 =	simm.s32 $0x400  }
0x4: {  	s12 =	simm.s32 $0x600;
	s13 =	simm.s32 $0x480;
	s14 =	simm.s32 $0x680  }
0x5: {  	s15 =	simm.s32 $0x500;
	s16 =	simm.s32 $0x700;
	s17 =	simm.s32 $0x580  }
0x6: {  	s18 =	simm.s32 $0x780;
	s19 =	simm.s32 $0x1;
	s4 =	sand.u32 $0x1, s2  }
0x7: {  	s2 =	simm.s32 $0x0;
	s5 =	sshll.u32 s1, $0x7;
	s6 =	sshll.u32 s4, $0x6  }
0x8: {  	[smem:$0x7FF] =	sst s2;
	s4 =	ssub.s32 $0x2, s4;
	s5 =	sor.u32 s6, s5  }
0x9: {  	_ =	strace $0x80000047;
	s31 =	sshrl.u32 s4, $0x1;
	s6 =	sadd.s32 s5, s3  }
0xa: {  	s3 =	sadd.s32 $0x1E00, s3;
	s7 =	ssub.s32 s4, s31;
	s4 =	sadd.s32 $0x1600, s6  }
0xb: {  	s5 =	sadd.s32 $0xE00, s6;
	s6 =	sadd.s32 $0x81E00, s6;
	s7 =	smax.u32 s7, $0x1  }
.LBB2_1:
0xc: {  	[tilespmem:s2], [sflag:$0x2] =	stream.linear.gather [hbm4b:s4+s2], $0x200, $0x38;
	[tilespmem:$0x800] =	vst v63  }
0xd: {  	_ =	swait.ge [sflag:s8], $0x200  }
0xe: {  	[sflag:s8] =	ssyncset.done $0x0  }
0xf: {  	[sflag:s8] =	ssyncadd.s32 $0xFFFFFE00  }
0x10: {  	[tilespmem:s9], [sflag:$0x2] =	stream.linear.gather [hbm4b:s5+s2], $0x200, $0x38;
	[tilespmem:$0x800] =	vst v63  }
0x11: {  	_ =	swait.ge [sflag:s8], $0x200  }
0x12: {  	[sflag:s8] =	ssyncset.done $0x0  }
0x13: {  	[sflag:s8] =	ssyncadd.s32 $0xFFFFFE00  }
0x14: {  	v0 =	vld [tilespmem:$0x0]  }
0x15: {  	v1 =	vld [tilespmem:$0x200]  }
0x16: {  	v2 =	vld [tilespmem:$0x10]  }
0x17: {  	v3 =	vld [tilespmem:$0x210]  }
0x18: {  	v4 =	vld [tilespmem:$0x20]  }
0x19: {  	v5 =	vld [tilespmem:$0x220]  }
0x1a: {  	v6 =	vld [tilespmem:$0x30]  }
0x1b: {  	v7 =	vld [tilespmem:$0x230]  }
0x1c: {  	v8 =	vld [tilespmem:$0x40]  }
0x1d: {  	v9 =	vld [tilespmem:$0x240]  }
0x1e: {  	v10 =	vld [tilespmem:$0x50]  }
0x1f: {  	v11 =	vld [tilespmem:$0x250]  }
0x20: {  	v12 =	vld [tilespmem:$0x60]  }
0x21: {  	v13 =	vld [tilespmem:$0x260]  }
0x22: {  	v14 =	vld [tilespmem:$0x70]  }
0x23: {  	v15 =	vld [tilespmem:$0x270]  }
0x24: {  	v16 =	vld [tilespmem:$0x80]  }
0x25: {  	v17 =	vld [tilespmem:$0x280]  }
0x26: {  	v18 =	vld [tilespmem:$0x90]  }
0x27: {  	v19 =	vld [tilespmem:$0x290]  }
0x28: {  	v20 =	vld [tilespmem:$0xA0]  }
0x29: {  	v21 =	vld [tilespmem:$0x2A0]  }
0x2a: {  	v22 =	vld [tilespmem:$0xB0]  }
0x2b: {  	v23 =	vld [tilespmem:$0x2B0]  }
0x2c: {  	v24 =	vld [tilespmem:$0xC0]  }
0x2d: {  	v25 =	vld [tilespmem:$0x2C0]  }
0x2e: {  	v26 =	vld [tilespmem:$0xD0]  }
0x2f: {  	v27 =	vld [tilespmem:$0x2D0]  }
0x30: {  	v28 =	vld [tilespmem:$0xE0]  }
0x31: {  	v29 =	vld [tilespmem:$0x2E0]  }
0x32: {  	v30 =	vld [tilespmem:$0xF0]  }
0x33: {  	v31 =	vld [tilespmem:$0x2F0]  }
0x34: {  	v32 =	vld [tilespmem:$0x100]  }
0x35: {  	v33 =	vld [tilespmem:$0x300]  }
0x36: {  	v34 =	vld [tilespmem:$0x110]  }
0x37: {  	v35 =	vld [tilespmem:$0x310]  }
0x38: {  	v36 =	vld [tilespmem:$0x120];
	v0 =	vshll.u32 v0, $0xB  }
0x39: {  	v38 =	vld [tilespmem:$0x350];
	v58 =	vshll.u32 v2, $0xB;
	v0 =	vadd.s32 v1, v0  }
0x3a: {  	v41 =	vld [tilespmem:$0x160];
	v60 =	vshll.u32 v4, $0xB;
	v59 =	vadd.s32 v3, v58;
	[tilespmem:$0x400] =	vst v0  }
0x3b: {  	v44 =	vld [tilespmem:$0x360];
	v62 =	vshll.u32 v6, $0xB;
	v61 =	vadd.s32 v5, v60;
	[tilespmem:$0x410] =	vst v59  }
0x3c: {  	v47 =	vld [tilespmem:$0x170];
	v8 =	vshll.u32 v8, $0xB;
	v63 =	vadd.s32 v7, v62;
	[tilespmem:$0x420] =	vst v61  }
0x3d: {  	v50 =	vld [tilespmem:$0x370];
	v10 =	vshll.u32 v10, $0xB;
	v9 =	vadd.s32 v9, v8;
	[tilespmem:$0x430] =	vst v63  }
0x3e: {  	v53 =	vld [tilespmem:$0x180];
	v12 =	vshll.u32 v12, $0xB;
	v11 =	vadd.s32 v11, v10;
	[tilespmem:$0x440] =	vst v9  }
0x3f: {  	v56 =	vld [tilespmem:$0x380];
	v37 =	vshll.u32 v14, $0xB;
	v13 =	vadd.s32 v13, v12;
	[tilespmem:$0x450] =	vst v11  }
0x40: {  	v2 =	vld [tilespmem:$0x320];
	v40 =	vshll.u32 v16, $0xB;
	v39 =	vadd.s32 v15, v37;
	[tilespmem:$0x460] =	vst v13  }
0x41: {  	v4 =	vld [tilespmem:$0x330];
	v43 =	vshll.u32 v18, $0xB;
	v42 =	vadd.s32 v17, v40;
	[tilespmem:$0x470] =	vst v39  }
0x42: {  	v6 =	vld [tilespmem:$0x340];
	v46 =	vshll.u32 v20, $0xB;
	v45 =	vadd.s32 v19, v43;
	[tilespmem:$0x480] =	vst v42  }
0x43: {  	v49 =	vshll.u32 v22, $0xB;
	v52 =	vshll.u32 v24, $0xB;
	v24 =	vld [tilespmem:$0x3A0];
	v48 =	vadd.s32 v21, v46;
	[tilespmem:$0x490] =	vst v45  }
0x44: {  	v3 =	vld [tilespmem:$0x130];
	v51 =	vadd.s32 v23, v49;
	[tilespmem:$0x4A0] =	vst v48  }
0x45: {  	v55 =	vshll.u32 v26, $0xB;
	v5 =	vld [tilespmem:$0x140];
	v54 =	vadd.s32 v25, v52;
	[tilespmem:$0x4B0] =	vst v51  }
0x46: {  	v20 =	vshll.u32 v32, $0xB;
	v7 =	vld [tilespmem:$0x150];
	v57 =	vadd.s32 v27, v55;
	[tilespmem:$0x4C0] =	vst v54  }
0x47: {  	v58 =	vshll.u32 v28, $0xB;
	v62 =	vld [tilespmem:$0x390];
	v22 =	vadd.s32 v33, v20;
	[tilespmem:$0x4D0] =	vst v57  }
0x48: {  	v21 =	vld [tilespmem:$0x1A0];
	v23 =	vshll.u32 v34, $0xB;
	v60 =	vadd.s32 v29, v58;
	[tilespmem:$0x500] =	vst v22  }
0x49: {  	v27 =	vld [tilespmem:$0x1B0];
	v61 =	vshll.u32 v30, $0xB;
	v25 =	vadd.s32 v35, v23;
	[tilespmem:$0x4E0] =	vst v60  }
0x4a: {  	v26 =	vshll.u32 v36, $0xB;
	v59 =	vld [tilespmem:$0x190];
	v63 =	vadd.s32 v31, v61;
	[tilespmem:$0x510] =	vst v25  }
0x4b: {  	v39 =	vld [tilespmem:$0x1D0];
	[tilespmem:$0x4F0] =	vst v63;
	v28 =	vadd.s32 v2, v26;
	v29 =	vshll.u32 v3, $0xB  }
0x4c: {  	v42 =	vld [tilespmem:$0x3D0];
	[tilespmem:$0x520] =	vst v28;
	v32 =	vshll.u32 v5, $0xB;
	v31 =	vadd.s32 v4, v29  }
0x4d: {  	v45 =	vld [tilespmem:$0x1E0];
	v35 =	vshll.u32 v7, $0xB;
	v34 =	vadd.s32 v6, v32;
	[tilespmem:$0x530] =	vst v31  }
0x4e: {  	v48 =	vld [tilespmem:$0x3E0];
	v37 =	vadd.s32 v38, v35;
	v38 =	vshll.u32 v41, $0xB;
	[tilespmem:$0x540] =	vst v34  }
0x4f: {  	v33 =	vld [tilespmem:$0x1C0];
	v41 =	vshll.u32 v47, $0xB;
	[tilespmem:$0x550] =	vst v37;
	v40 =	vadd.s32 v44, v38  }
0x50: {  	v30 =	vld [tilespmem:$0x3B0];
	v47 =	vshll.u32 v59, $0xB;
	v43 =	vadd.s32 v50, v41;
	[tilespmem:$0x560] =	vst v40  }
0x51: {  	v51 =	vld [tilespmem:$0x1F0];
	v58 =	vshll.u32 v39, $0xB;
	v49 =	vadd.s32 v62, v47;
	[tilespmem:$0x570] =	vst v43  }
0x52: {  	v54 =	vld [tilespmem:$0x3F0];
	v60 =	vshll.u32 v45, $0xB;
	v59 =	vadd.s32 v42, v58;
	[tilespmem:$0x590] =	vst v49  }
0x53: {  	v36 =	vld [tilespmem:$0x3C0];
	v44 =	vshll.u32 v53, $0xB;
	v61 =	vadd.s32 v48, v60;
	[tilespmem:$0x5D0] =	vst v59  }
0x54: {  	v50 =	vshll.u32 v21, $0xB;
	v46 =	vadd.s32 v56, v44;
	[tilespmem:$0x5E0] =	vst v61  }
0x55: {  	v53 =	vshll.u32 v27, $0xB;
	v52 =	vadd.s32 v24, v50;
	[tilespmem:$0x580] =	vst v46  }
0x56: {  	v62 =	vshll.u32 v51, $0xB;
	v55 =	vadd.s32 v30, v53;
	[tilespmem:$0x5A0] =	vst v52  }
0x57: {  	v56 =	vshll.u32 v33, $0xB;
	v63 =	vadd.s32 v54, v62;
	[tilespmem:$0x5B0] =	vst v55  }
0x58: {  	v57 =	vadd.s32 v36, v56;
	[tilespmem:$0x5F0] =	vst v63  }
0x59: {  	[tilespmem:$0x5C0] =	vst v57  }
0x5a: {  	[tilespmem:s12], [sflag:$0x1] =	stream.indirect.gather [hbm4b:s3+s10], $0x1, s11, s10, $0xb8;
	[tilespmem:$0x800] =	vst v63  }
0x5b: {  	_ = 	snop  }
0x5c: {  	[tilespmem:s14], [sflag:$0x1] =	stream.indirect.gather [hbm4b:s3+s10], $0x1, s13, s10, $0xb8;
	[tilespmem:$0x800] =	vst v63  }
0x5d: {  	_ = 	snop  }
0x5e: {  	[tilespmem:s16], [sflag:$0x1] =	stream.indirect.gather [hbm4b:s3+s10], $0x1, s15, s10, $0xb8;
	[tilespmem:$0x800] =	vst v63  }
0x5f: {  	_ = 	snop  }
0x60: {  	[tilespmem:s18], [sflag:$0x1] =	stream.indirect.gather [hbm4b:s3+s10], $0x1, s17, s10, $0xb8;
	[tilespmem:$0x800] =	vst v63  }
0x61: {  	_ =	swait.ge [sflag:s19], $0x80  }
0x62: {  	[sflag:s19] =	ssyncset.done $0x0  }
0x63: {  	[sflag:s19] =	ssyncadd.s32 $0xFFFFFF80  }
0x64: {  	_ =	swait.ge [sflag:s19], $0x80  }
0x65: {  	[sflag:s19] =	ssyncset.done $0x0  }
0x66: {  	[sflag:s19] =	ssyncadd.s32 $0xFFFFFF80  }
0x67: {  	_ =	swait.ge [sflag:s19], $0x80  }
0x68: {  	[sflag:s19] =	ssyncset.done $0x0  }
0x69: {  	[sflag:s19] =	ssyncadd.s32 $0xFFFFFF80  }
0x6a: {  	_ =	swait.ge [sflag:s19], $0x80  }
0x6b: {  	p0 =	sne.s32 s7, $0x1;
	[sflag:s19] =	ssyncset.done $0x0  }
.Ltmp0:
0x6c: {  	[sflag:s19] =	ssyncadd.s32 $0xFFFFFF80;
	(pc) =	sbr.rel @p0 .LBB2_1-.Ltmp0, $4  }
0x6d: {  	[hbm4b:s6+s2] =	stream.linear.scatter [tilespmem:s12], [sflag:$0x2], $0x200, $0x38;
	[tilespmem:$0x800] =	vst v63  }
0x6e: {  	_ =	swait.ge [sflag:s8], $0x200  }
0x6f: {  	[sflag:s8] =	ssyncset.done $0x0  }
0x70: {  	s7 =	sadd.s32 $0xFFFFFFFF, s7;
	[sflag:s8] =	ssyncadd.s32 $0xFFFFFE00  }
0x71: {  	_ =	sfence.sel $0x180000  }
0x72: {  	[bflag:$0x0] =	sbarrier.arrive $0xFFFF  }
0x73: {  	p0 =	sne.s32 s1, $0x0;
	_ =	strace $0x90000047  }
0x74: {  	s0 =	sadd.s32 @!p0 $0x100000, s0;
	[bflag:$0x2] =	sbarrier.arrive $0xFFFF  }
0x75: {  	[sflag:s0] =	ssyncadd.tile.s32 @!p0 $0x1;
	_ =	shalt  }
.Lfunc_end2:
_tile_overlayer_lowered:
.L_overlay_start_2:
0x76: {  	(tag) =	ssettag $0x2  }
0x77: {  	s0 =	rddreg [dreg:$0x0];
	s2 =	stileid.u32  }
0x78: {  	s1 =	rddreg [dreg:$0x1];
	p0 =	sne.s32 s2, $0x0  }
0x79: {  	s3 =	rddreg [dreg:$0x2];
	[bflag:$0x3] =	sbarrier.arrive $0xFFFF;
	s2 =	simm.s32 @!p0 $0x1C02  }
0x7a: {  	[timem:s3], [sflag:s2] =	dma.local @!p0 [hbm:s0], s1  }
0x7b: {  	s0 =	simm.s32 @!p0 $0x2  }
0x7c: {  	_ =	swait.ge @!p0 [sflag:s0], s1  }
0x7d: {  	s1 =	ssub.s32 @!p0 $0x0, s1;
	[sflag:s0] =	ssyncset.done @!p0 $0x0  }
0x7e: {  	[sflag:s0] =	ssyncadd.s32 @!p0 s1  }
0x7f: {  	[bflag:$0x3] =	sbarrier.arrive $0xFFFF  }
0x80: {  	_ =	shalt  }

</sc_bundles>
